<compile_context>
chip_gen: v7x
topology: tpu7x:2x2x1
jax: 0.10.2.dev20260603
libtpu: 0.0.44.dev20260713+nightly
codegen_flags: <defaults>
</compile_context>

<pallas_src>
import functools

import jax
import jax.numpy as jnp
from jax import lax
from jax.experimental import pallas as pl
from jax.experimental.pallas import tpu as pltpu
from jax.experimental.pallas import tpu_sc as plsc

MIN_INDEX = -10

NC = 2
NS = 16
NW = NC * NS
LANES = 16

CHUNK = 80


def _fuse_body(tables_ref, w1_ref, out_ref):
    for p in range(tables_ref.shape[0]):
        out_ref[p] = lax.dot_general(
            tables_ref[p], w1_ref[p],
            (((1,), (0,)), ((), ())),
            preferred_element_type=jnp.float32,
        )


def _fuse_tables(tables, w1r):
    P, NV, E = tables.shape
    return pl.pallas_call(
        _fuse_body,
        out_shape=jax.ShapeDtypeStruct((P, NV, E), jnp.float32),
    )(tables, w1r)


def _build_body(f_ref, out_ref):
    NV = f_ref.shape[1]
    i = pl.program_id(0)

    @pl.when(i < NV)
    def _triple():
        pair12 = f_ref[1][:, None, :] + f_ref[2][None, :, :]
        t = f_ref[0, pl.ds(jnp.minimum(i, NV - 1), 1)][0][None, None, :] + pair12
        out_ref[0] = t.reshape(NV * NV, -1)

    @pl.when(i == NV)
    def _pair34():
        out_ref[0] = (f_ref[3][:, None, :]
                      + f_ref[4][None, :, :]).reshape(NV * NV, -1)

    @pl.when(i == NV + 1)
    def _pair56():
        out_ref[0] = (f_ref[5][:, None, :]
                      + f_ref[6][None, :, :]).reshape(NV * NV, -1)


def _build_tables(F):
    P, NV, E = F.shape
    n_slabs = NV + 2
    out = pl.pallas_call(
        _build_body,
        grid=(n_slabs,),
        in_specs=[pl.BlockSpec((P, NV, E), lambda i: (0, 0, 0))],
        out_specs=pl.BlockSpec((1, NV * NV, E), lambda i: (i, 0, 0)),
        out_shape=jax.ShapeDtypeStruct((n_slabs, NV * NV, E), jnp.float32),
    )(F)
    return out.reshape(n_slabs * NV * NV, E)


def _make_gather_sum(N, G, E):
    tok_per_w = N // NW
    n_chunks = tok_per_w // CHUNK
    mesh = plsc.VectorSubcoreMesh(
        core_axis_name="c", subcore_axis_name="s",
        num_cores=NC, num_subcores=NS,
    )

    assert n_chunks % 2 == 0 and n_chunks >= 4
    half = n_chunks // 2

    scratch = (
        [pltpu.VMEM((G * CHUNK,), jnp.int32) for _ in range(2)]
        + [pltpu.VMEM((G * CHUNK, E), jnp.float32) for _ in range(2)]
        + [pltpu.VMEM((CHUNK, E), jnp.float32) for _ in range(2)]
        + [pltpu.SemaphoreType.DMA for _ in range(6)]
    )

    @functools.partial(
        pl.kernel,
        out_type=jax.ShapeDtypeStruct((N, E), jnp.float32),
        mesh=mesh,
        compiler_params=pltpu.CompilerParams(needs_layout_passes=False),
        scratch_types=scratch,
    )
    def gather_sum(f_hbm, rows_hbm, out_hbm,
                   idx0, idx1, rows0, rows1, o0, o1, *sems):
        idx_v = (idx0, idx1)
        rows_v = (rows0, rows1)
        o_v = (o0, o1)
        sem_i = sems[0:2]
        sem_g = sems[2:4]
        sem_o = sems[4:6]
        wid = lax.axis_index("s") * NC + lax.axis_index("c")
        base = wid * tok_per_w

        def idx_copy(b, c, wait):
            cp = pltpu.make_async_copy(
                rows_hbm.at[pl.ds((base + c * CHUNK) * G, G * CHUNK)],
                idx_v[b], sem_i[b])
            cp.wait() if wait else cp.start()

        def gather(b, wait):
            cp = pltpu.make_async_copy(
                f_hbm.at[idx_v[b]], rows_v[b], sem_g[b])
            cp.wait() if wait else cp.start()

        def out_copy(b, c, wait):
            cp = pltpu.make_async_copy(
                o_v[b], out_hbm.at[pl.ds(base + c * CHUNK, CHUNK), :],
                sem_o[b])
            cp.wait() if wait else cp.start()

        def compute(b):
            @plsc.parallel_loop(0, CHUNK, unroll=2)
            def tok_body(t):
                for cc in range(E // LANES):
                    sl = pl.ds(cc * LANES, LANES)
                    vals = [rows_v[b][t * G + g, sl] for g in range(G)]
                    while len(vals) > 1:
                        vals = [a + b2 for a, b2 in zip(vals[::2], vals[1::2])] \
                            + ([vals[-1]] if len(vals) % 2 else [])
                    o_v[b][t, sl] = vals[0]

        idx_copy(0, 0, False)
        idx_copy(1, 1, False)
        idx_copy(0, 0, True)
        gather(0, False)

        def pair_body(c2, carry):
            for b in (0, 1):
                c = 2 * c2 + b
                gather(b, True)

                @pl.when(c2 < half - 1)
                def _prefetch_idx():
                    idx_copy(b, c + 2, False)

                b1 = 1 - b
                if b == 0:
                    idx_copy(b1, c + 1, True)
                    gather(b1, False)
                else:
                    @pl.when(c2 < half - 1)
                    def _next_gather():
                        idx_copy(b1, c + 1, True)
                        gather(b1, False)

                @pl.when(c2 >= 1)
                def _drain_out():
                    out_copy(b, c - 2, True)

                compute(b)
                out_copy(b, c, False)
            return carry

        lax.fori_loop(0, half, pair_body, 0, unroll=False)
        out_copy(0, n_chunks - 2, True)
        out_copy(1, n_chunks - 1, True)

    return gather_sum


def _tail_body(S, g_ref, b1_ref, w2_ref, b2_ref, out_ref):
    h = jnp.maximum(g_ref[...] + b1_ref[...], 0.0)
    res = lax.dot_general(
        h, w2_ref[...],
        (((1,), (0,)), ((), ())),
        preferred_element_type=jnp.float32,
    ) + b2_ref[...]
    for j in range(out_ref.shape[0]):
        out_ref[j] = res[j * S:(j + 1) * S]


def _mlp_tail(g, b1, w2, b2, B, S, bb):
    N, E = g.shape
    grid = (B // bb,)
    return pl.pallas_call(
        functools.partial(_tail_body, S),
        grid=grid,
        in_specs=[
            pl.BlockSpec((bb * S, E), lambda i: (i, 0)),
            pl.BlockSpec((1, E), lambda i: (0, 0)),
            pl.BlockSpec((E, E), lambda i: (0, 0)),
            pl.BlockSpec((1, E), lambda i: (0, 0)),
        ],
        out_specs=pl.BlockSpec((bb, S, E), lambda i: (i, 0, 0)),
        out_shape=jax.ShapeDtypeStruct((B, S, E), jnp.float32),
    )(g, b1, w2, b2)


@jax.jit
def kernel(integral, tables, W1, b1, W2, b2):
    P, NV, E = tables.shape
    orig_shape = integral.shape[:-1]
    N = 1
    for d in orig_shape:
        N *= d

    F = _fuse_tables(tables, W1.reshape(P, E, E))
    table = _build_tables(F)

    G = 3
    idx = jnp.clip(integral.reshape(N, P).astype(jnp.int32) - MIN_INDEX, 0, NV - 1)
    r0 = (idx[:, 0] * NV + idx[:, 1]) * NV + idx[:, 2]
    r1 = idx[:, 3] * NV + idx[:, 4] + NV * NV * NV
    r2 = idx[:, 5] * NV + idx[:, 6] + NV * NV * NV + NV * NV
    rows_c = jnp.stack([r0, r1, r2], axis=1).reshape(-1)

    g = _make_gather_sum(N, G, E)(table, rows_c)

    B, S = orig_shape
    return _mlp_tail(g, b1.reshape(1, E), W2, b2.reshape(1, E), B, S, bb=16)

# --- scband reference (transcript-rebuilt; emitter-appended) ---
"""Pipeline reference for scband-integral-encoder-29566554866355 (READ-ONLY COPY).

The authoritative reference and input builder live on the scoring server;
editing this copy changes nothing except your own understanding.
"""

import jax, jax.numpy as jnp
import numpy as np

EMBED_DIM = 128
MIN_INDEX = -10
MAX_INDEX = 20
NUM_VALUES = MAX_INDEX - MIN_INDEX + 1  # 31
BATCH = 4096
SEQ = 50


def setup_inputs(seed: int = 0) -> dict:
    key = jax.random.key(seed)
    k_idx, k_tab, k_w1, k_b1, k_w2, k_b2 = jax.random.split(key, 6)
    integral = jax.random.randint(k_idx, (BATCH, SEQ, 7), 0, MAX_INDEX, dtype=jnp.int64 if jax.config.jax_enable_x64 else jnp.int32)
    # 7 per-position embedding tables stacked: (7, NUM_VALUES, EMBED_DIM)
    tables = jax.random.normal(k_tab, (7, NUM_VALUES, EMBED_DIM), dtype=jnp.float32)
    # combine MLP: Linear(7*E -> E), ReLU, Linear(E -> E). Stored as (in, out).
    W1 = jax.random.normal(k_w1, (7 * EMBED_DIM, EMBED_DIM), dtype=jnp.float32) * 0.02
    b1 = jax.random.normal(k_b1, (EMBED_DIM,), dtype=jnp.float32) * 0.02
    W2 = jax.random.normal(k_w2, (EMBED_DIM, EMBED_DIM), dtype=jnp.float32) * 0.02
    b2 = jax.random.normal(k_b2, (EMBED_DIM,), dtype=jnp.float32) * 0.02
    return {"integral": integral, "tables": tables, "W1": W1, "b1": b1, "W2": W2, "b2": b2}


def reference(integral, tables, W1, b1, W2, b2):
    shifted = integral - MIN_INDEX
    shifted = jnp.clip(shifted, 0, NUM_VALUES - 1)
    orig_shape = shifted.shape[:-1]
    flat = shifted.reshape(-1, 7)  # (N, 7)
    # per-position gather: tables[pos, value] -> (N, 7, EMBED_DIM)
    pos = jnp.arange(7)[None, :]
    emb = tables[pos, flat]
    combined = emb.reshape(flat.shape[0], 7 * EMBED_DIM)  # concat along last dim
    h = jax.nn.relu(combined @ W1 + b1)
    out = h @ W2 + b2
    return out.reshape(*orig_shape, EMBED_DIM)

if __name__ == "__main__":
    import jax
    _d = setup_inputs()
    print(jax.jit(kernel)(*tuple(_d.values())))

</pallas_src>

<mosaic_0001>
#map = affine_map<(d0, d1) -> (0, 0)>
#map1 = affine_map<(d0, d1) -> (0)>
module attributes {stable_mosaic.version = 14 : i64} {
  func.func @gather_sum(%arg0: i32, %arg1: i32, %arg2: memref<31713x128xf32, #tpu.memory_space<hbm>>, %arg3: memref<614400xi32, #tpu.memory_space<hbm>>, %arg4: memref<204800x128xf32, #tpu.memory_space<hbm>>, %arg5: memref<240xi32, #tpu.memory_space<vmem>>, %arg6: memref<240xi32, #tpu.memory_space<vmem>>, %arg7: memref<240x128xf32, #tpu.memory_space<vmem>>, %arg8: memref<240x128xf32, #tpu.memory_space<vmem>>, %arg9: memref<80x128xf32, #tpu.memory_space<vmem>>, %arg10: memref<80x128xf32, #tpu.memory_space<vmem>>, %arg11: memref<!tpu.dma_semaphore, #tpu.memory_space<semaphore_mem>>, %arg12: memref<!tpu.dma_semaphore, #tpu.memory_space<semaphore_mem>>, %arg13: memref<!tpu.dma_semaphore, #tpu.memory_space<semaphore_mem>>, %arg14: memref<!tpu.dma_semaphore, #tpu.memory_space<semaphore_mem>>, %arg15: memref<!tpu.dma_semaphore, #tpu.memory_space<semaphore_mem>>, %arg16: memref<!tpu.dma_semaphore, #tpu.memory_space<semaphore_mem>>) attributes {dimension_semantics = [#tpu.dimension_semantics<core_parallel>, #tpu.dimension_semantics<subcore_parallel>], iteration_bounds = array<i64: 2, 16>, scalar_prefetch = 0 : i64, scratch_operands = 12 : i64, tpu.core_type = #tpu.core_type<sc_vector_subcore>, window_params = [{transform_indices = #map}, {transform_indices = #map1}, {transform_indices = #map}]} {
    %mul3A = arith.constant 2 : i32
    %mul3A_0 = arith.muli %arg1, %mul3A : i32
    %add3A = arith.addi %mul3A_0, %arg0 : i32
    %mul3A_1 = arith.constant 6400 : i32
    %mul3A_2 = arith.muli %add3A, %mul3A_1 : i32
    %add3A_3 = arith.constant 0 : i32
    %add3A_4 = arith.addi %mul3A_2, %add3A_3 : i32
    %mul3A_5 = arith.constant 3 : i32
    %mul3A_6 = arith.muli %add3A_4, %mul3A_5 : i32
    %dma_start3A = tpu.memref_slice %arg3[%mul3A_6] : memref<614400xi32, #tpu.memory_space<hbm>> -> memref<240xi32, #tpu.memory_space<hbm>>
    %dma_start3A_7 = tpu.memref_slice %arg3[%mul3A_6] : memref<614400xi32, #tpu.memory_space<hbm>> -> memref<240xi32, #tpu.memory_space<hbm>>
    tpu.enqueue_dma source(%dma_start3A_7 : memref<240xi32, #tpu.memory_space<hbm>>) target(%arg5 : memref<240xi32, #tpu.memory_space<vmem>>) target_semaphore(%arg11 : memref<!tpu.dma_semaphore, #tpu.memory_space<semaphore_mem>>)
    %add3A_8 = arith.constant 80 : i32
    %add3A_9 = arith.addi %mul3A_2, %add3A_8 : i32
    %mul3A_10 = arith.constant 3 : i32
    %mul3A_11 = arith.muli %add3A_9, %mul3A_10 : i32
    %dma_start3A_12 = tpu.memref_slice %arg3[%mul3A_11] : memref<614400xi32, #tpu.memory_space<hbm>> -> memref<240xi32, #tpu.memory_space<hbm>>
    %dma_start3A_13 = tpu.memref_slice %arg3[%mul3A_11] : memref<614400xi32, #tpu.memory_space<hbm>> -> memref<240xi32, #tpu.memory_space<hbm>>
    tpu.enqueue_dma source(%dma_start3A_13 : memref<240xi32, #tpu.memory_space<hbm>>) target(%arg6 : memref<240xi32, #tpu.memory_space<vmem>>) target_semaphore(%arg12 : memref<!tpu.dma_semaphore, #tpu.memory_space<semaphore_mem>>)
    %add3A_14 = arith.constant 0 : i32
    %add3A_15 = arith.addi %mul3A_2, %add3A_14 : i32
    %mul3A_16 = arith.constant 3 : i32
    %mul3A_17 = arith.muli %add3A_15, %mul3A_16 : i32
    %dma_wait3A = tpu.memref_slice %arg3[%mul3A_17] : memref<614400xi32, #tpu.memory_space<hbm>> -> memref<240xi32, #tpu.memory_space<hbm>>
    %dma_wait3A_18 = tpu.memref_slice %arg3[%mul3A_17] : memref<614400xi32, #tpu.memory_space<hbm>> -> memref<240xi32, #tpu.memory_space<hbm>>
    tpu.wait_dma2 semaphore(%arg11 : memref<!tpu.dma_semaphore, #tpu.memory_space<semaphore_mem>>) src(%dma_wait3A_18 : memref<240xi32, #tpu.memory_space<hbm>>) dst(%arg5 : memref<240xi32, #tpu.memory_space<vmem>>)
    %dma_start3A_19 = arith.constant 0 : i32
    %dma_start3A_20 = arith.constant 0 : i32
    %dma_start3A_21 = tpu.memref_slice %arg2[%dma_start3A_19, %dma_start3A_20] : memref<31713x128xf32, #tpu.memory_space<hbm>> -> memref<31713x128xf32, #tpu.memory_space<hbm>>
    tpu.enqueue_indirect_dma source(%dma_start3A_21 : memref<31713x128xf32, #tpu.memory_space<hbm>>) target(%arg7 : memref<240x128xf32, #tpu.memory_space<vmem>>) offsets(%arg5 : memref<240xi32, #tpu.memory_space<vmem>>) semaphore(%arg13 : memref<!tpu.dma_semaphore, #tpu.memory_space<semaphore_mem>>)
    %scan3A = arith.constant 0 : i32
    %scan3A_22 = arith.constant 0 : i32
    %scan3A_23 = arith.constant 40 : i32
    %scan3A_24 = arith.addi %scan3A_22, %scan3A_23 : i32
    %scan3A_25 = arith.constant 1 : i32
    scf.for %scan3A_39 = %scan3A_22 to %scan3A_24 step %scan3A_25  : i32 {
      %mul3A_40 = arith.constant 2 : i32
      %mul3A_41 = arith.muli %mul3A_40, %scan3A_39 : i32
      %add3A_42 = arith.constant 0 : i32
      %add3A_43 = arith.addi %mul3A_41, %add3A_42 : i32
      %dma_wait3A_44 = arith.constant 0 : i32
      %dma_wait3A_45 = arith.constant 0 : i32
      %dma_wait3A_46 = tpu.memref_slice %arg2[%dma_wait3A_44, %dma_wait3A_45] : memref<31713x128xf32, #tpu.memory_space<hbm>> -> memref<31713x128xf32, #tpu.memory_space<hbm>>
      tpu.wait_indirect_dma semaphore(%arg13 : memref<!tpu.dma_semaphore, #tpu.memory_space<semaphore_mem>>) src(%dma_wait3A_46 : memref<31713x128xf32, #tpu.memory_space<hbm>>) dst(%arg7 : memref<240x128xf32, #tpu.memory_space<vmem>>)
      %lt3A = arith.constant 39 : i32
      %lt3A_47 = arith.cmpi slt, %scan3A_39, %lt3A : i32
      %convert_element_type3A = arith.extui %lt3A_47 : i1 to i32
      %cond3A = arith.constant 0 : i32
      %cond3A_48 = arith.cmpi ne, %convert_element_type3A, %cond3A : i32
      scf.if %cond3A_48 {
        %add3A_106 = arith.constant 2 : i32
        %add3A_107 = arith.addi %add3A_43, %add3A_106 : i32
        %mul3A_108 = arith.constant 80 : i32
        %mul3A_109 = arith.muli %add3A_107, %mul3A_108 : i32
        %add3A_110 = arith.addi %mul3A_2, %mul3A_109 : i32
        %mul3A_111 = arith.constant 3 : i32
        %mul3A_112 = arith.muli %add3A_110, %mul3A_111 : i32
        %dma_start3A_113 = tpu.memref_slice %arg3[%mul3A_112] : memref<614400xi32, #tpu.memory_space<hbm>> -> memref<240xi32, #tpu.memory_space<hbm>>
        %dma_start3A_114 = tpu.memref_slice %arg3[%mul3A_112] : memref<614400xi32, #tpu.memory_space<hbm>> -> memref<240xi32, #tpu.memory_space<hbm>>
        tpu.enqueue_dma source(%dma_start3A_114 : memref<240xi32, #tpu.memory_space<hbm>>) target(%arg5 : memref<240xi32, #tpu.memory_space<vmem>>) target_semaphore(%arg11 : memref<!tpu.dma_semaphore, #tpu.memory_space<semaphore_mem>>)
      } else {
      }
      %add3A_49 = arith.constant 1 : i32
      %add3A_50 = arith.addi %add3A_43, %add3A_49 : i32
      %mul3A_51 = arith.constant 80 : i32
      %mul3A_52 = arith.muli %add3A_50, %mul3A_51 : i32
      %add3A_53 = arith.addi %mul3A_2, %mul3A_52 : i32
      %mul3A_54 = arith.constant 3 : i32
      %mul3A_55 = arith.muli %add3A_53, %mul3A_54 : i32
      %dma_wait3A_56 = tpu.memref_slice %arg3[%mul3A_55] : memref<614400xi32, #tpu.memory_space<hbm>> -> memref<240xi32, #tpu.memory_space<hbm>>
      %dma_wait3A_57 = tpu.memref_slice %arg3[%mul3A_55] : memref<614400xi32, #tpu.memory_space<hbm>> -> memref<240xi32, #tpu.memory_space<hbm>>
      tpu.wait_dma2 semaphore(%arg12 : memref<!tpu.dma_semaphore, #tpu.memory_space<semaphore_mem>>) src(%dma_wait3A_57 : memref<240xi32, #tpu.memory_space<hbm>>) dst(%arg6 : memref<240xi32, #tpu.memory_space<vmem>>)
      %dma_start3A_58 = arith.constant 0 : i32
      %dma_start3A_59 = arith.constant 0 : i32
      %dma_start3A_60 = tpu.memref_slice %arg2[%dma_start3A_58, %dma_start3A_59] : memref<31713x128xf32, #tpu.memory_space<hbm>> -> memref<31713x128xf32, #tpu.memory_space<hbm>>
      tpu.enqueue_indirect_dma source(%dma_start3A_60 : memref<31713x128xf32, #tpu.memory_space<hbm>>) target(%arg8 : memref<240x128xf32, #tpu.memory_space<vmem>>) offsets(%arg6 : memref<240xi32, #tpu.memory_space<vmem>>) semaphore(%arg14 : memref<!tpu.dma_semaphore, #tpu.memory_space<semaphore_mem>>)
      %ge3A = arith.constant 1 : i32
      %ge3A_61 = arith.cmpi sge, %scan3A_39, %ge3A : i32
      %convert_element_type3A_62 = arith.extui %ge3A_61 : i1 to i32
      %cond3A_63 = arith.constant 0 : i32
      %cond3A_64 = arith.cmpi ne, %convert_element_type3A_62, %cond3A_63 : i32
      scf.if %cond3A_64 {
        %sub3A = arith.constant 2 : i32
        %sub3A_106 = arith.subi %add3A_43, %sub3A : i32
        %mul3A_107 = arith.constant 80 : i32
        %mul3A_108 = arith.muli %sub3A_106, %mul3A_107 : i32
        %add3A_109 = arith.addi %mul3A_2, %mul3A_108 : i32
        %dma_wait3A_110 = arith.constant 0 : i32
        %dma_wait3A_111 = tpu.memref_slice %arg4[%add3A_109, %dma_wait3A_110] : memref<204800x128xf32, #tpu.memory_space<hbm>> -> memref<80x128xf32, #tpu.memory_space<hbm>>
        %dma_wait3A_112 = arith.constant 0 : i32
        %dma_wait3A_113 = tpu.memref_slice %arg4[%add3A_109, %dma_wait3A_112] : memref<204800x128xf32, #tpu.memory_space<hbm>> -> memref<80x128xf32, #tpu.memory_space<hbm>>
        tpu.wait_dma2 semaphore(%arg15 : memref<!tpu.dma_semaphore, #tpu.memory_space<semaphore_mem>>) src(%arg9 : memref<80x128xf32, #tpu.memory_space<vmem>>) dst(%dma_wait3A_113 : memref<80x128xf32, #tpu.memory_space<hbm>>)
      } else {
      }
      %parallel_loop3A = arith.constant 0 : i32
      %parallel_loop3A_65 = arith.constant 80 : i32
      %parallel_loop3A_66 = arith.constant 1 : i32
      scf.for %parallel_loop3A_106 = %parallel_loop3A to %parallel_loop3A_65 step %parallel_loop3A_66  : i32 {
        %parallel_loop3A_107 = arith.constant 3 : i32
        %parallel_loop3A_108 = arith.muli %parallel_loop3A_106, %parallel_loop3A_107 : i32
        %parallel_loop3A_109 = arith.constant 0 : i32
        %parallel_loop3A_110 = arith.addi %parallel_loop3A_108, %parallel_loop3A_109 : i32
        %parallel_loop3A_111 = arith.index_cast %parallel_loop3A_110 : i32 to index
        %parallel_loop3A_112 = arith.constant 0 : index
        %parallel_loop3A_113 = tpu.vector_load %arg7[%parallel_loop3A_111, %parallel_loop3A_112] {strides = array<i32>} : memref<240x128xf32, #tpu.memory_space<vmem>>, vector<16xf32>,
        %parallel_loop3A_114 = arith.constant 3 : i32
        %parallel_loop3A_115 = arith.muli %parallel_loop3A_106, %parallel_loop3A_114 : i32
        %parallel_loop3A_116 = arith.constant 1 : i32
        %parallel_loop3A_117 = arith.addi %parallel_loop3A_115, %parallel_loop3A_116 : i32
        %parallel_loop3A_118 = arith.index_cast %parallel_loop3A_117 : i32 to index
        %parallel_loop3A_119 = arith.constant 0 : index
        %parallel_loop3A_120 = tpu.vector_load %arg7[%parallel_loop3A_118, %parallel_loop3A_119] {strides = array<i32>} : memref<240x128xf32, #tpu.memory_space<vmem>>, vector<16xf32>,
        %parallel_loop3A_121 = arith.constant 3 : i32
        %parallel_loop3A_122 = arith.muli %parallel_loop3A_106, %parallel_loop3A_121 : i32
        %parallel_loop3A_123 = arith.constant 2 : i32
        %parallel_loop3A_124 = arith.addi %parallel_loop3A_122, %parallel_loop3A_123 : i32
        %parallel_loop3A_125 = arith.index_cast %parallel_loop3A_124 : i32 to index
        %parallel_loop3A_126 = arith.constant 0 : index
        %parallel_loop3A_127 = tpu.vector_load %arg7[%parallel_loop3A_125, %parallel_loop3A_126] {strides = array<i32>} : memref<240x128xf32, #tpu.memory_space<vmem>>, vector<16xf32>,
        %parallel_loop3A_128 = arith.addf %parallel_loop3A_113, %parallel_loop3A_120 : vector<16xf32>
        %parallel_loop3A_129 = arith.addf %parallel_loop3A_128, %parallel_loop3A_127 : vector<16xf32>
        %parallel_loop3A_130 = arith.index_cast %parallel_loop3A_106 : i32 to index
        %parallel_loop3A_131 = arith.constant 0 : index
        %parallel_loop3A_132 = tpu.vector_load %arg9[%parallel_loop3A_130, %parallel_loop3A_131] {strides = array<i32>} : memref<80x128xf32, #tpu.memory_space<vmem>>, vector<16xf32>,
        tpu.vector_store %arg9[%parallel_loop3A_130, %parallel_loop3A_131], %parallel_loop3A_129 {strides = array<i32>} : memref<80x128xf32, #tpu.memory_space<vmem>>, vector<16xf32>,
        %parallel_loop3A_133 = arith.constant 3 : i32
        %parallel_loop3A_134 = arith.muli %parallel_loop3A_106, %parallel_loop3A_133 : i32
        %parallel_loop3A_135 = arith.constant 0 : i32
        %parallel_loop3A_136 = arith.addi %parallel_loop3A_134, %parallel_loop3A_135 : i32
        %parallel_loop3A_137 = arith.index_cast %parallel_loop3A_136 : i32 to index
        %parallel_loop3A_138 = arith.constant 16 : index
        %parallel_loop3A_139 = tpu.vector_load %arg7[%parallel_loop3A_137, %parallel_loop3A_138] {strides = array<i32>} : memref<240x128xf32, #tpu.memory_space<vmem>>, vector<16xf32>,
        %parallel_loop3A_140 = arith.constant 3 : i32
        %parallel_loop3A_141 = arith.muli %parallel_loop3A_106, %parallel_loop3A_140 : i32
        %parallel_loop3A_142 = arith.constant 1 : i32
        %parallel_loop3A_143 = arith.addi %parallel_loop3A_141, %parallel_loop3A_142 : i32
        %parallel_loop3A_144 = arith.index_cast %parallel_loop3A_143 : i32 to index
        %parallel_loop3A_145 = arith.constant 16 : index
        %parallel_loop3A_146 = tpu.vector_load %arg7[%parallel_loop3A_144, %parallel_loop3A_145] {strides = array<i32>} : memref<240x128xf32, #tpu.memory_space<vmem>>, vector<16xf32>,
        %parallel_loop3A_147 = arith.constant 3 : i32
        %parallel_loop3A_148 = arith.muli %parallel_loop3A_106, %parallel_loop3A_147 : i32
        %parallel_loop3A_149 = arith.constant 2 : i32
        %parallel_loop3A_150 = arith.addi %parallel_loop3A_148, %parallel_loop3A_149 : i32
        %parallel_loop3A_151 = arith.index_cast %parallel_loop3A_150 : i32 to index
        %parallel_loop3A_152 = arith.constant 16 : index
        %parallel_loop3A_153 = tpu.vector_load %arg7[%parallel_loop3A_151, %parallel_loop3A_152] {strides = array<i32>} : memref<240x128xf32, #tpu.memory_space<vmem>>, vector<16xf32>,
        %parallel_loop3A_154 = arith.addf %parallel_loop3A_139, %parallel_loop3A_146 : vector<16xf32>
        %parallel_loop3A_155 = arith.addf %parallel_loop3A_154, %parallel_loop3A_153 : vector<16xf32>
        %parallel_loop3A_156 = arith.index_cast %parallel_loop3A_106 : i32 to index
        %parallel_loop3A_157 = arith.constant 16 : index
        %parallel_loop3A_158 = tpu.vector_load %arg9[%parallel_loop3A_156, %parallel_loop3A_157] {strides = array<i32>} : memref<80x128xf32, #tpu.memory_space<vmem>>, vector<16xf32>,
        tpu.vector_store %arg9[%parallel_loop3A_156, %parallel_loop3A_157], %parallel_loop3A_155 {strides = array<i32>} : memref<80x128xf32, #tpu.memory_space<vmem>>, vector<16xf32>,
        %parallel_loop3A_159 = arith.constant 3 : i32
        %parallel_loop3A_160 = arith.muli %parallel_loop3A_106, %parallel_loop3A_159 : i32
        %parallel_loop3A_161 = arith.constant 0 : i32
        %parallel_loop3A_162 = arith.addi %parallel_loop3A_160, %parallel_loop3A_161 : i32
        %parallel_loop3A_163 = arith.index_cast %parallel_loop3A_162 : i32 to index
        %parallel_loop3A_164 = arith.constant 32 : index
        %parallel_loop3A_165 = tpu.vector_load %arg7[%parallel_loop3A_163, %parallel_loop3A_164] {strides = array<i32>} : memref<240x128xf32, #tpu.memory_space<vmem>>, vector<16xf32>,
        %parallel_loop3A_166 = arith.constant 3 : i32
        %parallel_loop3A_167 = arith.muli %parallel_loop3A_106, %parallel_loop3A_166 : i32
        %parallel_loop3A_168 = arith.constant 1 : i32
        %parallel_loop3A_169 = arith.addi %parallel_loop3A_167, %parallel_loop3A_168 : i32
        %parallel_loop3A_170 = arith.index_cast %parallel_loop3A_169 : i32 to index
        %parallel_loop3A_171 = arith.constant 32 : index
        %parallel_loop3A_172 = tpu.vector_load %arg7[%parallel_loop3A_170, %parallel_loop3A_171] {strides = array<i32>} : memref<240x128xf32, #tpu.memory_space<vmem>>, vector<16xf32>,
        %parallel_loop3A_173 = arith.constant 3 : i32
        %parallel_loop3A_174 = arith.muli %parallel_loop3A_106, %parallel_loop3A_173 : i32
        %parallel_loop3A_175 = arith.constant 2 : i32
        %parallel_loop3A_176 = arith.addi %parallel_loop3A_174, %parallel_loop3A_175 : i32
        %parallel_loop3A_177 = arith.index_cast %parallel_loop3A_176 : i32 to index
        %parallel_loop3A_178 = arith.constant 32 : index
        %parallel_loop3A_179 = tpu.vector_load %arg7[%parallel_loop3A_177, %parallel_loop3A_178] {strides = array<i32>} : memref<240x128xf32, #tpu.memory_space<vmem>>, vector<16xf32>,
        %parallel_loop3A_180 = arith.addf %parallel_loop3A_165, %parallel_loop3A_172 : vector<16xf32>
        %parallel_loop3A_181 = arith.addf %parallel_loop3A_180, %parallel_loop3A_179 : vector<16xf32>
        %parallel_loop3A_182 = arith.index_cast %parallel_loop3A_106 : i32 to index
        %parallel_loop3A_183 = arith.constant 32 : index
        %parallel_loop3A_184 = tpu.vector_load %arg9[%parallel_loop3A_182, %parallel_loop3A_183] {strides = array<i32>} : memref<80x128xf32, #tpu.memory_space<vmem>>, vector<16xf32>,
        tpu.vector_store %arg9[%parallel_loop3A_182, %parallel_loop3A_183], %parallel_loop3A_181 {strides = array<i32>} : memref<80x128xf32, #tpu.memory_space<vmem>>, vector<16xf32>,
        %parallel_loop3A_185 = arith.constant 3 : i32
        %parallel_loop3A_186 = arith.muli %parallel_loop3A_106, %parallel_loop3A_185 : i32
        %parallel_loop3A_187 = arith.constant 0 : i32
        %parallel_loop3A_188 = arith.addi %parallel_loop3A_186, %parallel_loop3A_187 : i32
        %parallel_loop3A_189 = arith.index_cast %parallel_loop3A_188 : i32 to index
        %parallel_loop3A_190 = arith.constant 48 : index
        %parallel_loop3A_191 = tpu.vector_load %arg7[%parallel_loop3A_189, %parallel_loop3A_190] {strides = array<i32>} : memref<240x128xf32, #tpu.memory_space<vmem>>, vector<16xf32>,
        %parallel_loop3A_192 = arith.constant 3 : i32
        %parallel_loop3A_193 = arith.muli %parallel_loop3A_106, %parallel_loop3A_192 : i32
        %parallel_loop3A_194 = arith.constant 1 : i32
        %parallel_loop3A_195 = arith.addi %parallel_loop3A_193, %parallel_loop3A_194 : i32
        %parallel_loop3A_196 = arith.index_cast %parallel_loop3A_195 : i32 to index
        %parallel_loop3A_197 = arith.constant 48 : index
        %parallel_loop3A_198 = tpu.vector_load %arg7[%parallel_loop3A_196, %parallel_loop3A_197] {strides = array<i32>} : memref<240x128xf32, #tpu.memory_space<vmem>>, vector<16xf32>,
        %parallel_loop3A_199 = arith.constant 3 : i32
        %parallel_loop3A_200 = arith.muli %parallel_loop3A_106, %parallel_loop3A_199 : i32
        %parallel_loop3A_201 = arith.constant 2 : i32
        %parallel_loop3A_202 = arith.addi %parallel_loop3A_200, %parallel_loop3A_201 : i32
        %parallel_loop3A_203 = arith.index_cast %parallel_loop3A_202 : i32 to index
        %parallel_loop3A_204 = arith.constant 48 : index
        %parallel_loop3A_205 = tpu.vector_load %arg7[%parallel_loop3A_203, %parallel_loop3A_204] {strides = array<i32>} : memref<240x128xf32, #tpu.memory_space<vmem>>, vector<16xf32>,
        %parallel_loop3A_206 = arith.addf %parallel_loop3A_191, %parallel_loop3A_198 : vector<16xf32>
        %parallel_loop3A_207 = arith.addf %parallel_loop3A_206, %parallel_loop3A_205 : vector<16xf32>
        %parallel_loop3A_208 = arith.index_cast %parallel_loop3A_106 : i32 to index
        %parallel_loop3A_209 = arith.constant 48 : index
        %parallel_loop3A_210 = tpu.vector_load %arg9[%parallel_loop3A_208, %parallel_loop3A_209] {strides = array<i32>} : memref<80x128xf32, #tpu.memory_space<vmem>>, vector<16xf32>,
        tpu.vector_store %arg9[%parallel_loop3A_208, %parallel_loop3A_209], %parallel_loop3A_207 {strides = array<i32>} : memref<80x128xf32, #tpu.memory_space<vmem>>, vector<16xf32>,
        %parallel_loop3A_211 = arith.constant 3 : i32
        %parallel_loop3A_212 = arith.muli %parallel_loop3A_106, %parallel_loop3A_211 : i32
        %parallel_loop3A_213 = arith.constant 0 : i32
        %parallel_loop3A_214 = arith.addi %parallel_loop3A_212, %parallel_loop3A_213 : i32
        %parallel_loop3A_215 = arith.index_cast %parallel_loop3A_214 : i32 to index
        %parallel_loop3A_216 = arith.constant 64 : index
        %parallel_loop3A_217 = tpu.vector_load %arg7[%parallel_loop3A_215, %parallel_loop3A_216] {strides = array<i32>} : memref<240x128xf32, #tpu.memory_space<vmem>>, vector<16xf32>,
        %parallel_loop3A_218 = arith.constant 3 : i32
        %parallel_loop3A_219 = arith.muli %parallel_loop3A_106, %parallel_loop3A_218 : i32
        %parallel_loop3A_220 = arith.constant 1 : i32
        %parallel_loop3A_221 = arith.addi %parallel_loop3A_219, %parallel_loop3A_220 : i32
        %parallel_loop3A_222 = arith.index_cast %parallel_loop3A_221 : i32 to index
        %parallel_loop3A_223 = arith.constant 64 : index
        %parallel_loop3A_224 = tpu.vector_load %arg7[%parallel_loop3A_222, %parallel_loop3A_223] {strides = array<i32>} : memref<240x128xf32, #tpu.memory_space<vmem>>, vector<16xf32>,
        %parallel_loop3A_225 = arith.constant 3 : i32
        %parallel_loop3A_226 = arith.muli %parallel_loop3A_106, %parallel_loop3A_225 : i32
        %parallel_loop3A_227 = arith.constant 2 : i32
        %parallel_loop3A_228 = arith.addi %parallel_loop3A_226, %parallel_loop3A_227 : i32
        %parallel_loop3A_229 = arith.index_cast %parallel_loop3A_228 : i32 to index
        %parallel_loop3A_230 = arith.constant 64 : index
        %parallel_loop3A_231 = tpu.vector_load %arg7[%parallel_loop3A_229, %parallel_loop3A_230] {strides = array<i32>} : memref<240x128xf32, #tpu.memory_space<vmem>>, vector<16xf32>,
        %parallel_loop3A_232 = arith.addf %parallel_loop3A_217, %parallel_loop3A_224 : vector<16xf32>
        %parallel_loop3A_233 = arith.addf %parallel_loop3A_232, %parallel_loop3A_231 : vector<16xf32>
        %parallel_loop3A_234 = arith.index_cast %parallel_loop3A_106 : i32 to index
        %parallel_loop3A_235 = arith.constant 64 : index
        %parallel_loop3A_236 = tpu.vector_load %arg9[%parallel_loop3A_234, %parallel_loop3A_235] {strides = array<i32>} : memref<80x128xf32, #tpu.memory_space<vmem>>, vector<16xf32>,
        tpu.vector_store %arg9[%parallel_loop3A_234, %parallel_loop3A_235], %parallel_loop3A_233 {strides = array<i32>} : memref<80x128xf32, #tpu.memory_space<vmem>>, vector<16xf32>,
        %parallel_loop3A_237 = arith.constant 3 : i32
        %parallel_loop3A_238 = arith.muli %parallel_loop3A_106, %parallel_loop3A_237 : i32
        %parallel_loop3A_239 = arith.constant 0 : i32
        %parallel_loop3A_240 = arith.addi %parallel_loop3A_238, %parallel_loop3A_239 : i32
        %parallel_loop3A_241 = arith.index_cast %parallel_loop3A_240 : i32 to index
        %parallel_loop3A_242 = arith.constant 80 : index
        %parallel_loop3A_243 = tpu.vector_load %arg7[%parallel_loop3A_241, %parallel_loop3A_242] {strides = array<i32>} : memref<240x128xf32, #tpu.memory_space<vmem>>, vector<16xf32>,
        %parallel_loop3A_244 = arith.constant 3 : i32
        %parallel_loop3A_245 = arith.muli %parallel_loop3A_106, %parallel_loop3A_244 : i32
        %parallel_loop3A_246 = arith.constant 1 : i32
        %parallel_loop3A_247 = arith.addi %parallel_loop3A_245, %parallel_loop3A_246 : i32
        %parallel_loop3A_248 = arith.index_cast %parallel_loop3A_247 : i32 to index
        %parallel_loop3A_249 = arith.constant 80 : index
        %parallel_loop3A_250 = tpu.vector_load %arg7[%parallel_loop3A_248, %parallel_loop3A_249] {strides = array<i32>} : memref<240x128xf32, #tpu.memory_space<vmem>>, vector<16xf32>,
        %parallel_loop3A_251 = arith.constant 3 : i32
        %parallel_loop3A_252 = arith.muli %parallel_loop3A_106, %parallel_loop3A_251 : i32
        %parallel_loop3A_253 = arith.constant 2 : i32
        %parallel_loop3A_254 = arith.addi %parallel_loop3A_252, %parallel_loop3A_253 : i32
        %parallel_loop3A_255 = arith.index_cast %parallel_loop3A_254 : i32 to index
        %parallel_loop3A_256 = arith.constant 80 : index
        %parallel_loop3A_257 = tpu.vector_load %arg7[%parallel_loop3A_255, %parallel_loop3A_256] {strides = array<i32>} : memref<240x128xf32, #tpu.memory_space<vmem>>, vector<16xf32>,
        %parallel_loop3A_258 = arith.addf %parallel_loop3A_243, %parallel_loop3A_250 : vector<16xf32>
        %parallel_loop3A_259 = arith.addf %parallel_loop3A_258, %parallel_loop3A_257 : vector<16xf32>
        %parallel_loop3A_260 = arith.index_cast %parallel_loop3A_106 : i32 to index
        %parallel_loop3A_261 = arith.constant 80 : index
        %parallel_loop3A_262 = tpu.vector_load %arg9[%parallel_loop3A_260, %parallel_loop3A_261] {strides = array<i32>} : memref<80x128xf32, #tpu.memory_space<vmem>>, vector<16xf32>,
        tpu.vector_store %arg9[%parallel_loop3A_260, %parallel_loop3A_261], %parallel_loop3A_259 {strides = array<i32>} : memref<80x128xf32, #tpu.memory_space<vmem>>, vector<16xf32>,
        %parallel_loop3A_263 = arith.constant 3 : i32
        %parallel_loop3A_264 = arith.muli %parallel_loop3A_106, %parallel_loop3A_263 : i32
        %parallel_loop3A_265 = arith.constant 0 : i32
        %parallel_loop3A_266 = arith.addi %parallel_loop3A_264, %parallel_loop3A_265 : i32
        %parallel_loop3A_267 = arith.index_cast %parallel_loop3A_266 : i32 to index
        %parallel_loop3A_268 = arith.constant 96 : index
        %parallel_loop3A_269 = tpu.vector_load %arg7[%parallel_loop3A_267, %parallel_loop3A_268] {strides = array<i32>} : memref<240x128xf32, #tpu.memory_space<vmem>>, vector<16xf32>,
        %parallel_loop3A_270 = arith.constant 3 : i32
        %parallel_loop3A_271 = arith.muli %parallel_loop3A_106, %parallel_loop3A_270 : i32
        %parallel_loop3A_272 = arith.constant 1 : i32
        %parallel_loop3A_273 = arith.addi %parallel_loop3A_271, %parallel_loop3A_272 : i32
        %parallel_loop3A_274 = arith.index_cast %parallel_loop3A_273 : i32 to index
        %parallel_loop3A_275 = arith.constant 96 : index
        %parallel_loop3A_276 = tpu.vector_load %arg7[%parallel_loop3A_274, %parallel_loop3A_275] {strides = array<i32>} : memref<240x128xf32, #tpu.memory_space<vmem>>, vector<16xf32>,
        %parallel_loop3A_277 = arith.constant 3 : i32
        %parallel_loop3A_278 = arith.muli %parallel_loop3A_106, %parallel_loop3A_277 : i32
        %parallel_loop3A_279 = arith.constant 2 : i32
        %parallel_loop3A_280 = arith.addi %parallel_loop3A_278, %parallel_loop3A_279 : i32
        %parallel_loop3A_281 = arith.index_cast %parallel_loop3A_280 : i32 to index
        %parallel_loop3A_282 = arith.constant 96 : index
        %parallel_loop3A_283 = tpu.vector_load %arg7[%parallel_loop3A_281, %parallel_loop3A_282] {strides = array<i32>} : memref<240x128xf32, #tpu.memory_space<vmem>>, vector<16xf32>,
        %parallel_loop3A_284 = arith.addf %parallel_loop3A_269, %parallel_loop3A_276 : vector<16xf32>
        %parallel_loop3A_285 = arith.addf %parallel_loop3A_284, %parallel_loop3A_283 : vector<16xf32>
        %parallel_loop3A_286 = arith.index_cast %parallel_loop3A_106 : i32 to index
        %parallel_loop3A_287 = arith.constant 96 : index
        %parallel_loop3A_288 = tpu.vector_load %arg9[%parallel_loop3A_286, %parallel_loop3A_287] {strides = array<i32>} : memref<80x128xf32, #tpu.memory_space<vmem>>, vector<16xf32>,
        tpu.vector_store %arg9[%parallel_loop3A_286, %parallel_loop3A_287], %parallel_loop3A_285 {strides = array<i32>} : memref<80x128xf32, #tpu.memory_space<vmem>>, vector<16xf32>,
        %parallel_loop3A_289 = arith.constant 3 : i32
        %parallel_loop3A_290 = arith.muli %parallel_loop3A_106, %parallel_loop3A_289 : i32
        %parallel_loop3A_291 = arith.constant 0 : i32
        %parallel_loop3A_292 = arith.addi %parallel_loop3A_290, %parallel_loop3A_291 : i32
        %parallel_loop3A_293 = arith.index_cast %parallel_loop3A_292 : i32 to index
        %parallel_loop3A_294 = arith.constant 112 : index
        %parallel_loop3A_295 = tpu.vector_load %arg7[%parallel_loop3A_293, %parallel_loop3A_294] {strides = array<i32>} : memref<240x128xf32, #tpu.memory_space<vmem>>, vector<16xf32>,
        %parallel_loop3A_296 = arith.constant 3 : i32
        %parallel_loop3A_297 = arith.muli %parallel_loop3A_106, %parallel_loop3A_296 : i32
        %parallel_loop3A_298 = arith.constant 1 : i32
        %parallel_loop3A_299 = arith.addi %parallel_loop3A_297, %parallel_loop3A_298 : i32
        %parallel_loop3A_300 = arith.index_cast %parallel_loop3A_299 : i32 to index
        %parallel_loop3A_301 = arith.constant 112 : index
        %parallel_loop3A_302 = tpu.vector_load %arg7[%parallel_loop3A_300, %parallel_loop3A_301] {strides = array<i32>} : memref<240x128xf32, #tpu.memory_space<vmem>>, vector<16xf32>,
        %parallel_loop3A_303 = arith.constant 3 : i32
        %parallel_loop3A_304 = arith.muli %parallel_loop3A_106, %parallel_loop3A_303 : i32
        %parallel_loop3A_305 = arith.constant 2 : i32
        %parallel_loop3A_306 = arith.addi %parallel_loop3A_304, %parallel_loop3A_305 : i32
        %parallel_loop3A_307 = arith.index_cast %parallel_loop3A_306 : i32 to index
        %parallel_loop3A_308 = arith.constant 112 : index
        %parallel_loop3A_309 = tpu.vector_load %arg7[%parallel_loop3A_307, %parallel_loop3A_308] {strides = array<i32>} : memref<240x128xf32, #tpu.memory_space<vmem>>, vector<16xf32>,
        %parallel_loop3A_310 = arith.addf %parallel_loop3A_295, %parallel_loop3A_302 : vector<16xf32>
        %parallel_loop3A_311 = arith.addf %parallel_loop3A_310, %parallel_loop3A_309 : vector<16xf32>
        %parallel_loop3A_312 = arith.index_cast %parallel_loop3A_106 : i32 to index
        %parallel_loop3A_313 = arith.constant 112 : index
        %parallel_loop3A_314 = tpu.vector_load %arg9[%parallel_loop3A_312, %parallel_loop3A_313] {strides = array<i32>} : memref<80x128xf32, #tpu.memory_space<vmem>>, vector<16xf32>,
        tpu.vector_store %arg9[%parallel_loop3A_312, %parallel_loop3A_313], %parallel_loop3A_311 {strides = array<i32>} : memref<80x128xf32, #tpu.memory_space<vmem>>, vector<16xf32>,
      } {sc.loop_unroll_factor = 2 : i64, sc.parallel_access}
      %mul3A_67 = arith.constant 80 : i32
      %mul3A_68 = arith.muli %add3A_43, %mul3A_67 : i32
      %add3A_69 = arith.addi %mul3A_2, %mul3A_68 : i32
      %dma_start3A_70 = arith.constant 0 : i32
      %dma_start3A_71 = tpu.memref_slice %arg4[%add3A_69, %dma_start3A_70] : memref<204800x128xf32, #tpu.memory_space<hbm>> -> memref<80x128xf32, #tpu.memory_space<hbm>>
      %dma_start3A_72 = arith.constant 0 : i32
      %dma_start3A_73 = tpu.memref_slice %arg4[%add3A_69, %dma_start3A_72] : memref<204800x128xf32, #tpu.memory_space<hbm>> -> memref<80x128xf32, #tpu.memory_space<hbm>>
      tpu.enqueue_dma source(%arg9 : memref<80x128xf32, #tpu.memory_space<vmem>>) target(%dma_start3A_73 : memref<80x128xf32, #tpu.memory_space<hbm>>) target_semaphore(%arg15 : memref<!tpu.dma_semaphore, #tpu.memory_space<semaphore_mem>>)
      %mul3A_74 = arith.constant 2 : i32
      %mul3A_75 = arith.muli %mul3A_74, %scan3A_39 : i32
      %add3A_76 = arith.constant 1 : i32
      %add3A_77 = arith.addi %mul3A_75, %add3A_76 : i32
      %dma_wait3A_78 = arith.constant 0 : i32
      %dma_wait3A_79 = arith.constant 0 : i32
      %dma_wait3A_80 = tpu.memref_slice %arg2[%dma_wait3A_78, %dma_wait3A_79] : memref<31713x128xf32, #tpu.memory_space<hbm>> -> memref<31713x128xf32, #tpu.memory_space<hbm>>
      tpu.wait_indirect_dma semaphore(%arg14 : memref<!tpu.dma_semaphore, #tpu.memory_space<semaphore_mem>>) src(%dma_wait3A_80 : memref<31713x128xf32, #tpu.memory_space<hbm>>) dst(%arg8 : memref<240x128xf32, #tpu.memory_space<vmem>>)
      %lt3A_81 = arith.constant 39 : i32
      %lt3A_82 = arith.cmpi slt, %scan3A_39, %lt3A_81 : i32
      %convert_element_type3A_83 = arith.extui %lt3A_82 : i1 to i32
      %cond3A_84 = arith.constant 0 : i32
      %cond3A_85 = arith.cmpi ne, %convert_element_type3A_83, %cond3A_84 : i32
      scf.if %cond3A_85 {
        %add3A_106 = arith.constant 2 : i32
        %add3A_107 = arith.addi %add3A_77, %add3A_106 : i32
        %mul3A_108 = arith.constant 80 : i32
        %mul3A_109 = arith.muli %add3A_107, %mul3A_108 : i32
        %add3A_110 = arith.addi %mul3A_2, %mul3A_109 : i32
        %mul3A_111 = arith.constant 3 : i32
        %mul3A_112 = arith.muli %add3A_110, %mul3A_111 : i32
        %dma_start3A_113 = tpu.memref_slice %arg3[%mul3A_112] : memref<614400xi32, #tpu.memory_space<hbm>> -> memref<240xi32, #tpu.memory_space<hbm>>
        %dma_start3A_114 = tpu.memref_slice %arg3[%mul3A_112] : memref<614400xi32, #tpu.memory_space<hbm>> -> memref<240xi32, #tpu.memory_space<hbm>>
        tpu.enqueue_dma source(%dma_start3A_114 : memref<240xi32, #tpu.memory_space<hbm>>) target(%arg6 : memref<240xi32, #tpu.memory_space<vmem>>) target_semaphore(%arg12 : memref<!tpu.dma_semaphore, #tpu.memory_space<semaphore_mem>>)
      } else {
      }
      %lt3A_86 = arith.constant 39 : i32
      %lt3A_87 = arith.cmpi slt, %scan3A_39, %lt3A_86 : i32
      %convert_element_type3A_88 = arith.extui %lt3A_87 : i1 to i32
      %cond3A_89 = arith.constant 0 : i32
      %cond3A_90 = arith.cmpi ne, %convert_element_type3A_88, %cond3A_89 : i32
      scf.if %cond3A_90 {
        %add3A_106 = arith.constant 1 : i32
        %add3A_107 = arith.addi %add3A_77, %add3A_106 : i32
        %mul3A_108 = arith.constant 80 : i32
        %mul3A_109 = arith.muli %add3A_107, %mul3A_108 : i32
        %add3A_110 = arith.addi %mul3A_2, %mul3A_109 : i32
        %mul3A_111 = arith.constant 3 : i32
        %mul3A_112 = arith.muli %add3A_110, %mul3A_111 : i32
        %dma_wait3A_113 = tpu.memref_slice %arg3[%mul3A_112] : memref<614400xi32, #tpu.memory_space<hbm>> -> memref<240xi32, #tpu.memory_space<hbm>>
        %dma_wait3A_114 = tpu.memref_slice %arg3[%mul3A_112] : memref<614400xi32, #tpu.memory_space<hbm>> -> memref<240xi32, #tpu.memory_space<hbm>>
        tpu.wait_dma2 semaphore(%arg11 : memref<!tpu.dma_semaphore, #tpu.memory_space<semaphore_mem>>) src(%dma_wait3A_114 : memref<240xi32, #tpu.memory_space<hbm>>) dst(%arg5 : memref<240xi32, #tpu.memory_space<vmem>>)
        %dma_start3A_115 = arith.constant 0 : i32
        %dma_start3A_116 = arith.constant 0 : i32
        %dma_start3A_117 = tpu.memref_slice %arg2[%dma_start3A_115, %dma_start3A_116] : memref<31713x128xf32, #tpu.memory_space<hbm>> -> memref<31713x128xf32, #tpu.memory_space<hbm>>
        tpu.enqueue_indirect_dma source(%dma_start3A_117 : memref<31713x128xf32, #tpu.memory_space<hbm>>) target(%arg7 : memref<240x128xf32, #tpu.memory_space<vmem>>) offsets(%arg5 : memref<240xi32, #tpu.memory_space<vmem>>) semaphore(%arg13 : memref<!tpu.dma_semaphore, #tpu.memory_space<semaphore_mem>>)
      } else {
      }
      %ge3A_91 = arith.constant 1 : i32
      %ge3A_92 = arith.cmpi sge, %scan3A_39, %ge3A_91 : i32
      %convert_element_type3A_93 = arith.extui %ge3A_92 : i1 to i32
      %cond3A_94 = arith.constant 0 : i32
      %cond3A_95 = arith.cmpi ne, %convert_element_type3A_93, %cond3A_94 : i32
      scf.if %cond3A_95 {
        %sub3A = arith.constant 2 : i32
        %sub3A_106 = arith.subi %add3A_77, %sub3A : i32
        %mul3A_107 = arith.constant 80 : i32
        %mul3A_108 = arith.muli %sub3A_106, %mul3A_107 : i32
        %add3A_109 = arith.addi %mul3A_2, %mul3A_108 : i32
        %dma_wait3A_110 = arith.constant 0 : i32
        %dma_wait3A_111 = tpu.memref_slice %arg4[%add3A_109, %dma_wait3A_110] : memref<204800x128xf32, #tpu.memory_space<hbm>> -> memref<80x128xf32, #tpu.memory_space<hbm>>
        %dma_wait3A_112 = arith.constant 0 : i32
        %dma_wait3A_113 = tpu.memref_slice %arg4[%add3A_109, %dma_wait3A_112] : memref<204800x128xf32, #tpu.memory_space<hbm>> -> memref<80x128xf32, #tpu.memory_space<hbm>>
        tpu.wait_dma2 semaphore(%arg16 : memref<!tpu.dma_semaphore, #tpu.memory_space<semaphore_mem>>) src(%arg10 : memref<80x128xf32, #tpu.memory_space<vmem>>) dst(%dma_wait3A_113 : memref<80x128xf32, #tpu.memory_space<hbm>>)
      } else {
      }
      %parallel_loop3A_96 = arith.constant 0 : i32
      %parallel_loop3A_97 = arith.constant 80 : i32
      %parallel_loop3A_98 = arith.constant 1 : i32
      scf.for %parallel_loop3A_106 = %parallel_loop3A_96 to %parallel_loop3A_97 step %parallel_loop3A_98  : i32 {
        %parallel_loop3A_107 = arith.constant 3 : i32
        %parallel_loop3A_108 = arith.muli %parallel_loop3A_106, %parallel_loop3A_107 : i32
        %parallel_loop3A_109 = arith.constant 0 : i32
        %parallel_loop3A_110 = arith.addi %parallel_loop3A_108, %parallel_loop3A_109 : i32
        %parallel_loop3A_111 = arith.index_cast %parallel_loop3A_110 : i32 to index
        %parallel_loop3A_112 = arith.constant 0 : index
        %parallel_loop3A_113 = tpu.vector_load %arg8[%parallel_loop3A_111, %parallel_loop3A_112] {strides = array<i32>} : memref<240x128xf32, #tpu.memory_space<vmem>>, vector<16xf32>,
        %parallel_loop3A_114 = arith.constant 3 : i32
        %parallel_loop3A_115 = arith.muli %parallel_loop3A_106, %parallel_loop3A_114 : i32
        %parallel_loop3A_116 = arith.constant 1 : i32
        %parallel_loop3A_117 = arith.addi %parallel_loop3A_115, %parallel_loop3A_116 : i32
        %parallel_loop3A_118 = arith.index_cast %parallel_loop3A_117 : i32 to index
        %parallel_loop3A_119 = arith.constant 0 : index
        %parallel_loop3A_120 = tpu.vector_load %arg8[%parallel_loop3A_118, %parallel_loop3A_119] {strides = array<i32>} : memref<240x128xf32, #tpu.memory_space<vmem>>, vector<16xf32>,
        %parallel_loop3A_121 = arith.constant 3 : i32
        %parallel_loop3A_122 = arith.muli %parallel_loop3A_106, %parallel_loop3A_121 : i32
        %parallel_loop3A_123 = arith.constant 2 : i32
        %parallel_loop3A_124 = arith.addi %parallel_loop3A_122, %parallel_loop3A_123 : i32
        %parallel_loop3A_125 = arith.index_cast %parallel_loop3A_124 : i32 to index
        %parallel_loop3A_126 = arith.constant 0 : index
        %parallel_loop3A_127 = tpu.vector_load %arg8[%parallel_loop3A_125, %parallel_loop3A_126] {strides = array<i32>} : memref<240x128xf32, #tpu.memory_space<vmem>>, vector<16xf32>,
        %parallel_loop3A_128 = arith.addf %parallel_loop3A_113, %parallel_loop3A_120 : vector<16xf32>
        %parallel_loop3A_129 = arith.addf %parallel_loop3A_128, %parallel_loop3A_127 : vector<16xf32>
        %parallel_loop3A_130 = arith.index_cast %parallel_loop3A_106 : i32 to index
        %parallel_loop3A_131 = arith.constant 0 : index
        %parallel_loop3A_132 = tpu.vector_load %arg10[%parallel_loop3A_130, %parallel_loop3A_131] {strides = array<i32>} : memref<80x128xf32, #tpu.memory_space<vmem>>, vector<16xf32>,
        tpu.vector_store %arg10[%parallel_loop3A_130, %parallel_loop3A_131], %parallel_loop3A_129 {strides = array<i32>} : memref<80x128xf32, #tpu.memory_space<vmem>>, vector<16xf32>,
        %parallel_loop3A_133 = arith.constant 3 : i32
        %parallel_loop3A_134 = arith.muli %parallel_loop3A_106, %parallel_loop3A_133 : i32
        %parallel_loop3A_135 = arith.constant 0 : i32
        %parallel_loop3A_136 = arith.addi %parallel_loop3A_134, %parallel_loop3A_135 : i32
        %parallel_loop3A_137 = arith.index_cast %parallel_loop3A_136 : i32 to index
        %parallel_loop3A_138 = arith.constant 16 : index
        %parallel_loop3A_139 = tpu.vector_load %arg8[%parallel_loop3A_137, %parallel_loop3A_138] {strides = array<i32>} : memref<240x128xf32, #tpu.memory_space<vmem>>, vector<16xf32>,
        %parallel_loop3A_140 = arith.constant 3 : i32
        %parallel_loop3A_141 = arith.muli %parallel_loop3A_106, %parallel_loop3A_140 : i32
        %parallel_loop3A_142 = arith.constant 1 : i32
        %parallel_loop3A_143 = arith.addi %parallel_loop3A_141, %parallel_loop3A_142 : i32
        %parallel_loop3A_144 = arith.index_cast %parallel_loop3A_143 : i32 to index
        %parallel_loop3A_145 = arith.constant 16 : index
        %parallel_loop3A_146 = tpu.vector_load %arg8[%parallel_loop3A_144, %parallel_loop3A_145] {strides = array<i32>} : memref<240x128xf32, #tpu.memory_space<vmem>>, vector<16xf32>,
        %parallel_loop3A_147 = arith.constant 3 : i32
        %parallel_loop3A_148 = arith.muli %parallel_loop3A_106, %parallel_loop3A_147 : i32
        %parallel_loop3A_149 = arith.constant 2 : i32
        %parallel_loop3A_150 = arith.addi %parallel_loop3A_148, %parallel_loop3A_149 : i32
        %parallel_loop3A_151 = arith.index_cast %parallel_loop3A_150 : i32 to index
        %parallel_loop3A_152 = arith.constant 16 : index
        %parallel_loop3A_153 = tpu.vector_load %arg8[%parallel_loop3A_151, %parallel_loop3A_152] {strides = array<i32>} : memref<240x128xf32, #tpu.memory_space<vmem>>, vector<16xf32>,
        %parallel_loop3A_154 = arith.addf %parallel_loop3A_139, %parallel_loop3A_146 : vector<16xf32>
        %parallel_loop3A_155 = arith.addf %parallel_loop3A_154, %parallel_loop3A_153 : vector<16xf32>
        %parallel_loop3A_156 = arith.index_cast %parallel_loop3A_106 : i32 to index
        %parallel_loop3A_157 = arith.constant 16 : index
        %parallel_loop3A_158 = tpu.vector_load %arg10[%parallel_loop3A_156, %parallel_loop3A_157] {strides = array<i32>} : memref<80x128xf32, #tpu.memory_space<vmem>>, vector<16xf32>,
        tpu.vector_store %arg10[%parallel_loop3A_156, %parallel_loop3A_157], %parallel_loop3A_155 {strides = array<i32>} : memref<80x128xf32, #tpu.memory_space<vmem>>, vector<16xf32>,
        %parallel_loop3A_159 = arith.constant 3 : i32
        %parallel_loop3A_160 = arith.muli %parallel_loop3A_106, %parallel_loop3A_159 : i32
        %parallel_loop3A_161 = arith.constant 0 : i32
        %parallel_loop3A_162 = arith.addi %parallel_loop3A_160, %parallel_loop3A_161 : i32
        %parallel_loop3A_163 = arith.index_cast %parallel_loop3A_162 : i32 to index
        %parallel_loop3A_164 = arith.constant 32 : index
        %parallel_loop3A_165 = tpu.vector_load %arg8[%parallel_loop3A_163, %parallel_loop3A_164] {strides = array<i32>} : memref<240x128xf32, #tpu.memory_space<vmem>>, vector<16xf32>,
        %parallel_loop3A_166 = arith.constant 3 : i32
        %parallel_loop3A_167 = arith.muli %parallel_loop3A_106, %parallel_loop3A_166 : i32
        %parallel_loop3A_168 = arith.constant 1 : i32
        %parallel_loop3A_169 = arith.addi %parallel_loop3A_167, %parallel_loop3A_168 : i32
        %parallel_loop3A_170 = arith.index_cast %parallel_loop3A_169 : i32 to index
        %parallel_loop3A_171 = arith.constant 32 : index
        %parallel_loop3A_172 = tpu.vector_load %arg8[%parallel_loop3A_170, %parallel_loop3A_171] {strides = array<i32>} : memref<240x128xf32, #tpu.memory_space<vmem>>, vector<16xf32>,
        %parallel_loop3A_173 = arith.constant 3 : i32
        %parallel_loop3A_174 = arith.muli %parallel_loop3A_106, %parallel_loop3A_173 : i32
        %parallel_loop3A_175 = arith.constant 2 : i32
        %parallel_loop3A_176 = arith.addi %parallel_loop3A_174, %parallel_loop3A_175 : i32
        %parallel_loop3A_177 = arith.index_cast %parallel_loop3A_176 : i32 to index
        %parallel_loop3A_178 = arith.constant 32 : index
        %parallel_loop3A_179 = tpu.vector_load %arg8[%parallel_loop3A_177, %parallel_loop3A_178] {strides = array<i32>} : memref<240x128xf32, #tpu.memory_space<vmem>>, vector<16xf32>,
        %parallel_loop3A_180 = arith.addf %parallel_loop3A_165, %parallel_loop3A_172 : vector<16xf32>
        %parallel_loop3A_181 = arith.addf %parallel_loop3A_180, %parallel_loop3A_179 : vector<16xf32>
        %parallel_loop3A_182 = arith.index_cast %parallel_loop3A_106 : i32 to index
        %parallel_loop3A_183 = arith.constant 32 : index
        %parallel_loop3A_184 = tpu.vector_load %arg10[%parallel_loop3A_182, %parallel_loop3A_183] {strides = array<i32>} : memref<80x128xf32, #tpu.memory_space<vmem>>, vector<16xf32>,
        tpu.vector_store %arg10[%parallel_loop3A_182, %parallel_loop3A_183], %parallel_loop3A_181 {strides = array<i32>} : memref<80x128xf32, #tpu.memory_space<vmem>>, vector<16xf32>,
        %parallel_loop3A_185 = arith.constant 3 : i32
        %parallel_loop3A_186 = arith.muli %parallel_loop3A_106, %parallel_loop3A_185 : i32
        %parallel_loop3A_187 = arith.constant 0 : i32
        %parallel_loop3A_188 = arith.addi %parallel_loop3A_186, %parallel_loop3A_187 : i32
        %parallel_loop3A_189 = arith.index_cast %parallel_loop3A_188 : i32 to index
        %parallel_loop3A_190 = arith.constant 48 : index
        %parallel_loop3A_191 = tpu.vector_load %arg8[%parallel_loop3A_189, %parallel_loop3A_190] {strides = array<i32>} : memref<240x128xf32, #tpu.memory_space<vmem>>, vector<16xf32>,
        %parallel_loop3A_192 = arith.constant 3 : i32
        %parallel_loop3A_193 = arith.muli %parallel_loop3A_106, %parallel_loop3A_192 : i32
        %parallel_loop3A_194 = arith.constant 1 : i32
        %parallel_loop3A_195 = arith.addi %parallel_loop3A_193, %parallel_loop3A_194 : i32
        %parallel_loop3A_196 = arith.index_cast %parallel_loop3A_195 : i32 to index
        %parallel_loop3A_197 = arith.constant 48 : index
        %parallel_loop3A_198 = tpu.vector_load %arg8[%parallel_loop3A_196, %parallel_loop3A_197] {strides = array<i32>} : memref<240x128xf32, #tpu.memory_space<vmem>>, vector<16xf32>,
        %parallel_loop3A_199 = arith.constant 3 : i32
        %parallel_loop3A_200 = arith.muli %parallel_loop3A_106, %parallel_loop3A_199 : i32
        %parallel_loop3A_201 = arith.constant 2 : i32
        %parallel_loop3A_202 = arith.addi %parallel_loop3A_200, %parallel_loop3A_201 : i32
        %parallel_loop3A_203 = arith.index_cast %parallel_loop3A_202 : i32 to index
        %parallel_loop3A_204 = arith.constant 48 : index
        %parallel_loop3A_205 = tpu.vector_load %arg8[%parallel_loop3A_203, %parallel_loop3A_204] {strides = array<i32>} : memref<240x128xf32, #tpu.memory_space<vmem>>, vector<16xf32>,
        %parallel_loop3A_206 = arith.addf %parallel_loop3A_191, %parallel_loop3A_198 : vector<16xf32>
        %parallel_loop3A_207 = arith.addf %parallel_loop3A_206, %parallel_loop3A_205 : vector<16xf32>
        %parallel_loop3A_208 = arith.index_cast %parallel_loop3A_106 : i32 to index
        %parallel_loop3A_209 = arith.constant 48 : index
        %parallel_loop3A_210 = tpu.vector_load %arg10[%parallel_loop3A_208, %parallel_loop3A_209] {strides = array<i32>} : memref<80x128xf32, #tpu.memory_space<vmem>>, vector<16xf32>,
        tpu.vector_store %arg10[%parallel_loop3A_208, %parallel_loop3A_209], %parallel_loop3A_207 {strides = array<i32>} : memref<80x128xf32, #tpu.memory_space<vmem>>, vector<16xf32>,
        %parallel_loop3A_211 = arith.constant 3 : i32
        %parallel_loop3A_212 = arith.muli %parallel_loop3A_106, %parallel_loop3A_211 : i32
        %parallel_loop3A_213 = arith.constant 0 : i32
        %parallel_loop3A_214 = arith.addi %parallel_loop3A_212, %parallel_loop3A_213 : i32
        %parallel_loop3A_215 = arith.index_cast %parallel_loop3A_214 : i32 to index
        %parallel_loop3A_216 = arith.constant 64 : index
        %parallel_loop3A_217 = tpu.vector_load %arg8[%parallel_loop3A_215, %parallel_loop3A_216] {strides = array<i32>} : memref<240x128xf32, #tpu.memory_space<vmem>>, vector<16xf32>,
        %parallel_loop3A_218 = arith.constant 3 : i32
        %parallel_loop3A_219 = arith.muli %parallel_loop3A_106, %parallel_loop3A_218 : i32
        %parallel_loop3A_220 = arith.constant 1 : i32
        %parallel_loop3A_221 = arith.addi %parallel_loop3A_219, %parallel_loop3A_220 : i32
        %parallel_loop3A_222 = arith.index_cast %parallel_loop3A_221 : i32 to index
        %parallel_loop3A_223 = arith.constant 64 : index
        %parallel_loop3A_224 = tpu.vector_load %arg8[%parallel_loop3A_222, %parallel_loop3A_223] {strides = array<i32>} : memref<240x128xf32, #tpu.memory_space<vmem>>, vector<16xf32>,
        %parallel_loop3A_225 = arith.constant 3 : i32
        %parallel_loop3A_226 = arith.muli %parallel_loop3A_106, %parallel_loop3A_225 : i32
        %parallel_loop3A_227 = arith.constant 2 : i32
        %parallel_loop3A_228 = arith.addi %parallel_loop3A_226, %parallel_loop3A_227 : i32
        %parallel_loop3A_229 = arith.index_cast %parallel_loop3A_228 : i32 to index
        %parallel_loop3A_230 = arith.constant 64 : index
        %parallel_loop3A_231 = tpu.vector_load %arg8[%parallel_loop3A_229, %parallel_loop3A_230] {strides = array<i32>} : memref<240x128xf32, #tpu.memory_space<vmem>>, vector<16xf32>,
        %parallel_loop3A_232 = arith.addf %parallel_loop3A_217, %parallel_loop3A_224 : vector<16xf32>
        %parallel_loop3A_233 = arith.addf %parallel_loop3A_232, %parallel_loop3A_231 : vector<16xf32>
        %parallel_loop3A_234 = arith.index_cast %parallel_loop3A_106 : i32 to index
        %parallel_loop3A_235 = arith.constant 64 : index
        %parallel_loop3A_236 = tpu.vector_load %arg10[%parallel_loop3A_234, %parallel_loop3A_235] {strides = array<i32>} : memref<80x128xf32, #tpu.memory_space<vmem>>, vector<16xf32>,
        tpu.vector_store %arg10[%parallel_loop3A_234, %parallel_loop3A_235], %parallel_loop3A_233 {strides = array<i32>} : memref<80x128xf32, #tpu.memory_space<vmem>>, vector<16xf32>,
        %parallel_loop3A_237 = arith.constant 3 : i32
        %parallel_loop3A_238 = arith.muli %parallel_loop3A_106, %parallel_loop3A_237 : i32
        %parallel_loop3A_239 = arith.constant 0 : i32
        %parallel_loop3A_240 = arith.addi %parallel_loop3A_238, %parallel_loop3A_239 : i32
        %parallel_loop3A_241 = arith.index_cast %parallel_loop3A_240 : i32 to index
        %parallel_loop3A_242 = arith.constant 80 : index
        %parallel_loop3A_243 = tpu.vector_load %arg8[%parallel_loop3A_241, %parallel_loop3A_242] {strides = array<i32>} : memref<240x128xf32, #tpu.memory_space<vmem>>, vector<16xf32>,
        %parallel_loop3A_244 = arith.constant 3 : i32
        %parallel_loop3A_245 = arith.muli %parallel_loop3A_106, %parallel_loop3A_244 : i32
        %parallel_loop3A_246 = arith.constant 1 : i32
        %parallel_loop3A_247 = arith.addi %parallel_loop3A_245, %parallel_loop3A_246 : i32
        %parallel_loop3A_248 = arith.index_cast %parallel_loop3A_247 : i32 to index
        %parallel_loop3A_249 = arith.constant 80 : index
        %parallel_loop3A_250 = tpu.vector_load %arg8[%parallel_loop3A_248, %parallel_loop3A_249] {strides = array<i32>} : memref<240x128xf32, #tpu.memory_space<vmem>>, vector<16xf32>,
        %parallel_loop3A_251 = arith.constant 3 : i32
        %parallel_loop3A_252 = arith.muli %parallel_loop3A_106, %parallel_loop3A_251 : i32
        %parallel_loop3A_253 = arith.constant 2 : i32
        %parallel_loop3A_254 = arith.addi %parallel_loop3A_252, %parallel_loop3A_253 : i32
        %parallel_loop3A_255 = arith.index_cast %parallel_loop3A_254 : i32 to index
        %parallel_loop3A_256 = arith.constant 80 : index
        %parallel_loop3A_257 = tpu.vector_load %arg8[%parallel_loop3A_255, %parallel_loop3A_256] {strides = array<i32>} : memref<240x128xf32, #tpu.memory_space<vmem>>, vector<16xf32>,
        %parallel_loop3A_258 = arith.addf %parallel_loop3A_243, %parallel_loop3A_250 : vector<16xf32>
        %parallel_loop3A_259 = arith.addf %parallel_loop3A_258, %parallel_loop3A_257 : vector<16xf32>
        %parallel_loop3A_260 = arith.index_cast %parallel_loop3A_106 : i32 to index
        %parallel_loop3A_261 = arith.constant 80 : index
        %parallel_loop3A_262 = tpu.vector_load %arg10[%parallel_loop3A_260, %parallel_loop3A_261] {strides = array<i32>} : memref<80x128xf32, #tpu.memory_space<vmem>>, vector<16xf32>,
        tpu.vector_store %arg10[%parallel_loop3A_260, %parallel_loop3A_261], %parallel_loop3A_259 {strides = array<i32>} : memref<80x128xf32, #tpu.memory_space<vmem>>, vector<16xf32>,
        %parallel_loop3A_263 = arith.constant 3 : i32
        %parallel_loop3A_264 = arith.muli %parallel_loop3A_106, %parallel_loop3A_263 : i32
        %parallel_loop3A_265 = arith.constant 0 : i32
        %parallel_loop3A_266 = arith.addi %parallel_loop3A_264, %parallel_loop3A_265 : i32
        %parallel_loop3A_267 = arith.index_cast %parallel_loop3A_266 : i32 to index
        %parallel_loop3A_268 = arith.constant 96 : index
        %parallel_loop3A_269 = tpu.vector_load %arg8[%parallel_loop3A_267, %parallel_loop3A_268] {strides = array<i32>} : memref<240x128xf32, #tpu.memory_space<vmem>>, vector<16xf32>,
        %parallel_loop3A_270 = arith.constant 3 : i32
        %parallel_loop3A_271 = arith.muli %parallel_loop3A_106, %parallel_loop3A_270 : i32
        %parallel_loop3A_272 = arith.constant 1 : i32
        %parallel_loop3A_273 = arith.addi %parallel_loop3A_271, %parallel_loop3A_272 : i32
        %parallel_loop3A_274 = arith.index_cast %parallel_loop3A_273 : i32 to index
        %parallel_loop3A_275 = arith.constant 96 : index
        %parallel_loop3A_276 = tpu.vector_load %arg8[%parallel_loop3A_274, %parallel_loop3A_275] {strides = array<i32>} : memref<240x128xf32, #tpu.memory_space<vmem>>, vector<16xf32>,
        %parallel_loop3A_277 = arith.constant 3 : i32
        %parallel_loop3A_278 = arith.muli %parallel_loop3A_106, %parallel_loop3A_277 : i32
        %parallel_loop3A_279 = arith.constant 2 : i32
        %parallel_loop3A_280 = arith.addi %parallel_loop3A_278, %parallel_loop3A_279 : i32
        %parallel_loop3A_281 = arith.index_cast %parallel_loop3A_280 : i32 to index
        %parallel_loop3A_282 = arith.constant 96 : index
        %parallel_loop3A_283 = tpu.vector_load %arg8[%parallel_loop3A_281, %parallel_loop3A_282] {strides = array<i32>} : memref<240x128xf32, #tpu.memory_space<vmem>>, vector<16xf32>,
        %parallel_loop3A_284 = arith.addf %parallel_loop3A_269, %parallel_loop3A_276 : vector<16xf32>
        %parallel_loop3A_285 = arith.addf %parallel_loop3A_284, %parallel_loop3A_283 : vector<16xf32>
        %parallel_loop3A_286 = arith.index_cast %parallel_loop3A_106 : i32 to index
        %parallel_loop3A_287 = arith.constant 96 : index
        %parallel_loop3A_288 = tpu.vector_load %arg10[%parallel_loop3A_286, %parallel_loop3A_287] {strides = array<i32>} : memref<80x128xf32, #tpu.memory_space<vmem>>, vector<16xf32>,
        tpu.vector_store %arg10[%parallel_loop3A_286, %parallel_loop3A_287], %parallel_loop3A_285 {strides = array<i32>} : memref<80x128xf32, #tpu.memory_space<vmem>>, vector<16xf32>,
        %parallel_loop3A_289 = arith.constant 3 : i32
        %parallel_loop3A_290 = arith.muli %parallel_loop3A_106, %parallel_loop3A_289 : i32
        %parallel_loop3A_291 = arith.constant 0 : i32
        %parallel_loop3A_292 = arith.addi %parallel_loop3A_290, %parallel_loop3A_291 : i32
        %parallel_loop3A_293 = arith.index_cast %parallel_loop3A_292 : i32 to index
        %parallel_loop3A_294 = arith.constant 112 : index
        %parallel_loop3A_295 = tpu.vector_load %arg8[%parallel_loop3A_293, %parallel_loop3A_294] {strides = array<i32>} : memref<240x128xf32, #tpu.memory_space<vmem>>, vector<16xf32>,
        %parallel_loop3A_296 = arith.constant 3 : i32
        %parallel_loop3A_297 = arith.muli %parallel_loop3A_106, %parallel_loop3A_296 : i32
        %parallel_loop3A_298 = arith.constant 1 : i32
        %parallel_loop3A_299 = arith.addi %parallel_loop3A_297, %parallel_loop3A_298 : i32
        %parallel_loop3A_300 = arith.index_cast %parallel_loop3A_299 : i32 to index
        %parallel_loop3A_301 = arith.constant 112 : index
        %parallel_loop3A_302 = tpu.vector_load %arg8[%parallel_loop3A_300, %parallel_loop3A_301] {strides = array<i32>} : memref<240x128xf32, #tpu.memory_space<vmem>>, vector<16xf32>,
        %parallel_loop3A_303 = arith.constant 3 : i32
        %parallel_loop3A_304 = arith.muli %parallel_loop3A_106, %parallel_loop3A_303 : i32
        %parallel_loop3A_305 = arith.constant 2 : i32
        %parallel_loop3A_306 = arith.addi %parallel_loop3A_304, %parallel_loop3A_305 : i32
        %parallel_loop3A_307 = arith.index_cast %parallel_loop3A_306 : i32 to index
        %parallel_loop3A_308 = arith.constant 112 : index
        %parallel_loop3A_309 = tpu.vector_load %arg8[%parallel_loop3A_307, %parallel_loop3A_308] {strides = array<i32>} : memref<240x128xf32, #tpu.memory_space<vmem>>, vector<16xf32>,
        %parallel_loop3A_310 = arith.addf %parallel_loop3A_295, %parallel_loop3A_302 : vector<16xf32>
        %parallel_loop3A_311 = arith.addf %parallel_loop3A_310, %parallel_loop3A_309 : vector<16xf32>
        %parallel_loop3A_312 = arith.index_cast %parallel_loop3A_106 : i32 to index
        %parallel_loop3A_313 = arith.constant 112 : index
        %parallel_loop3A_314 = tpu.vector_load %arg10[%parallel_loop3A_312, %parallel_loop3A_313] {strides = array<i32>} : memref<80x128xf32, #tpu.memory_space<vmem>>, vector<16xf32>,
        tpu.vector_store %arg10[%parallel_loop3A_312, %parallel_loop3A_313], %parallel_loop3A_311 {strides = array<i32>} : memref<80x128xf32, #tpu.memory_space<vmem>>, vector<16xf32>,
      } {sc.loop_unroll_factor = 2 : i64, sc.parallel_access}
      %mul3A_99 = arith.constant 80 : i32
      %mul3A_100 = arith.muli %add3A_77, %mul3A_99 : i32
      %add3A_101 = arith.addi %mul3A_2, %mul3A_100 : i32
      %dma_start3A_102 = arith.constant 0 : i32
      %dma_start3A_103 = tpu.memref_slice %arg4[%add3A_101, %dma_start3A_102] : memref<204800x128xf32, #tpu.memory_space<hbm>> -> memref<80x128xf32, #tpu.memory_space<hbm>>
      %dma_start3A_104 = arith.constant 0 : i32
      %dma_start3A_105 = tpu.memref_slice %arg4[%add3A_101, %dma_start3A_104] : memref<204800x128xf32, #tpu.memory_space<hbm>> -> memref<80x128xf32, #tpu.memory_space<hbm>>
      tpu.enqueue_dma source(%arg10 : memref<80x128xf32, #tpu.memory_space<vmem>>) target(%dma_start3A_105 : memref<80x128xf32, #tpu.memory_space<hbm>>) target_semaphore(%arg16 : memref<!tpu.dma_semaphore, #tpu.memory_space<semaphore_mem>>)
    }
    %scan3A_26 = arith.constant 40 : i32
    %add3A_27 = arith.constant 6240 : i32
    %add3A_28 = arith.addi %mul3A_2, %add3A_27 : i32
    %dma_wait3A_29 = arith.constant 0 : i32
    %dma_wait3A_30 = tpu.memref_slice %arg4[%add3A_28, %dma_wait3A_29] : memref<204800x128xf32, #tpu.memory_space<hbm>> -> memref<80x128xf32, #tpu.memory_space<hbm>>
    %dma_wait3A_31 = arith.constant 0 : i32
    %dma_wait3A_32 = tpu.memref_slice %arg4[%add3A_28, %dma_wait3A_31] : memref<204800x128xf32, #tpu.memory_space<hbm>> -> memref<80x128xf32, #tpu.memory_space<hbm>>
    tpu.wait_dma2 semaphore(%arg15 : memref<!tpu.dma_semaphore, #tpu.memory_space<semaphore_mem>>) src(%arg9 : memref<80x128xf32, #tpu.memory_space<vmem>>) dst(%dma_wait3A_32 : memref<80x128xf32, #tpu.memory_space<hbm>>)
    %add3A_33 = arith.constant 6320 : i32
    %add3A_34 = arith.addi %mul3A_2, %add3A_33 : i32
    %dma_wait3A_35 = arith.constant 0 : i32
    %dma_wait3A_36 = tpu.memref_slice %arg4[%add3A_34, %dma_wait3A_35] : memref<204800x128xf32, #tpu.memory_space<hbm>> -> memref<80x128xf32, #tpu.memory_space<hbm>>
    %dma_wait3A_37 = arith.constant 0 : i32
    %dma_wait3A_38 = tpu.memref_slice %arg4[%add3A_34, %dma_wait3A_37] : memref<204800x128xf32, #tpu.memory_space<hbm>> -> memref<80x128xf32, #tpu.memory_space<hbm>>
    tpu.wait_dma2 semaphore(%arg16 : memref<!tpu.dma_semaphore, #tpu.memory_space<semaphore_mem>>) src(%arg10 : memref<80x128xf32, #tpu.memory_space<vmem>>) dst(%dma_wait3A_38 : memref<80x128xf32, #tpu.memory_space<hbm>>)
    return
  }
}

module attributes {stable_mosaic.version = 14 : i64} {
  func.func @_fuse_body(%arg0: memref<7x31x128xf32, #tpu.memory_space<vmem>>, %arg1: memref<7x128x128xf32, #tpu.memory_space<vmem>>, %arg2: memref<7x31x128xf32, #tpu.memory_space<vmem>>) attributes {dimension_semantics = [], scalar_prefetch = 0 : i64, scratch_operands = 0 : i64, tpu.core_type = #tpu.core_type<tc>} {
    %get3A = arith.constant 0 : index
    %get3A_0 = arith.constant 0 : index
    %get3A_1 = arith.constant 0 : index
    %get3A_2 = vector.load %arg0[%get3A, %get3A_0, %get3A_1] : memref<7x31x128xf32, #tpu.memory_space<vmem>>, vector<1x31x128xf32>
    %get3A_3 = vector.shape_cast %get3A_2 : vector<1x31x128xf32> to vector<31x128xf32>
    %get3A_4 = arith.constant 0 : index
    %get3A_5 = arith.constant 0 : index
    %get3A_6 = arith.constant 0 : index
    %get3A_7 = vector.load %arg1[%get3A_4, %get3A_5, %get3A_6] : memref<7x128x128xf32, #tpu.memory_space<vmem>>, vector<1x128x128xf32>
    %get3A_8 = vector.shape_cast %get3A_7 : vector<1x128x128xf32> to vector<128x128xf32>
    %dot_general3A = arith.constant dense<0.000000e+00> : vector<31x128xf32>
    %dot_general3A_9 = tpu.matmul %get3A_3, %get3A_8, %dot_general3A {dimension_numbers = #tpu.dot_dimension_numbers<[1], [0], [0], [1], [0, 0, 1, 1], [], []>, transpose_lhs_hint = false} : vector<31x128xf32>, vector<128x128xf32>, vector<31x128xf32> -> vector<31x128xf32>
    %swap3A = arith.constant 0 : index
    %swap3A_10 = arith.constant 0 : index
    %swap3A_11 = arith.constant 0 : index
    %swap3A_12 = vector.load %arg2[%swap3A, %swap3A_10, %swap3A_11] : memref<7x31x128xf32, #tpu.memory_space<vmem>>, vector<1x31x128xf32>
    %swap3A_13 = vector.shape_cast %swap3A_12 : vector<1x31x128xf32> to vector<31x128xf32>
    %swap3A_14 = vector.shape_cast %dot_general3A_9 : vector<31x128xf32> to vector<1x31x128xf32>
    tpu.vector_store %arg2[%swap3A, %swap3A_10, %swap3A_11], %swap3A_14 {strides = array<i32>} : memref<7x31x128xf32, #tpu.memory_space<vmem>>, vector<1x31x128xf32>,
    %get3A_15 = arith.constant 1 : index
    %get3A_16 = arith.constant 0 : index
    %get3A_17 = arith.constant 0 : index
    %get3A_18 = vector.load %arg0[%get3A_15, %get3A_16, %get3A_17] : memref<7x31x128xf32, #tpu.memory_space<vmem>>, vector<1x31x128xf32>
    %get3A_19 = vector.shape_cast %get3A_18 : vector<1x31x128xf32> to vector<31x128xf32>
    %get3A_20 = arith.constant 1 : index
    %get3A_21 = arith.constant 0 : index
    %get3A_22 = arith.constant 0 : index
    %get3A_23 = vector.load %arg1[%get3A_20, %get3A_21, %get3A_22] : memref<7x128x128xf32, #tpu.memory_space<vmem>>, vector<1x128x128xf32>
    %get3A_24 = vector.shape_cast %get3A_23 : vector<1x128x128xf32> to vector<128x128xf32>
    %dot_general3A_25 = arith.constant dense<0.000000e+00> : vector<31x128xf32>
    %dot_general3A_26 = tpu.matmul %get3A_19, %get3A_24, %dot_general3A_25 {dimension_numbers = #tpu.dot_dimension_numbers<[1], [0], [0], [1], [0, 0, 1, 1], [], []>, transpose_lhs_hint = false} : vector<31x128xf32>, vector<128x128xf32>, vector<31x128xf32> -> vector<31x128xf32>
    %swap3A_27 = arith.constant 1 : index
    %swap3A_28 = arith.constant 0 : index
    %swap3A_29 = arith.constant 0 : index
    %swap3A_30 = vector.load %arg2[%swap3A_27, %swap3A_28, %swap3A_29] : memref<7x31x128xf32, #tpu.memory_space<vmem>>, vector<1x31x128xf32>
    %swap3A_31 = vector.shape_cast %swap3A_30 : vector<1x31x128xf32> to vector<31x128xf32>
    %swap3A_32 = vector.shape_cast %dot_general3A_26 : vector<31x128xf32> to vector<1x31x128xf32>
    tpu.vector_store %arg2[%swap3A_27, %swap3A_28, %swap3A_29], %swap3A_32 {strides = array<i32>} : memref<7x31x128xf32, #tpu.memory_space<vmem>>, vector<1x31x128xf32>,
    %get3A_33 = arith.constant 2 : index
    %get3A_34 = arith.constant 0 : index
    %get3A_35 = arith.constant 0 : index
    %get3A_36 = vector.load %arg0[%get3A_33, %get3A_34, %get3A_35] : memref<7x31x128xf32, #tpu.memory_space<vmem>>, vector<1x31x128xf32>
    %get3A_37 = vector.shape_cast %get3A_36 : vector<1x31x128xf32> to vector<31x128xf32>
    %get3A_38 = arith.constant 2 : index
    %get3A_39 = arith.constant 0 : index
    %get3A_40 = arith.constant 0 : index
    %get3A_41 = vector.load %arg1[%get3A_38, %get3A_39, %get3A_40] : memref<7x128x128xf32, #tpu.memory_space<vmem>>, vector<1x128x128xf32>
    %get3A_42 = vector.shape_cast %get3A_41 : vector<1x128x128xf32> to vector<128x128xf32>
    %dot_general3A_43 = arith.constant dense<0.000000e+00> : vector<31x128xf32>
    %dot_general3A_44 = tpu.matmul %get3A_37, %get3A_42, %dot_general3A_43 {dimension_numbers = #tpu.dot_dimension_numbers<[1], [0], [0], [1], [0, 0, 1, 1], [], []>, transpose_lhs_hint = false} : vector<31x128xf32>, vector<128x128xf32>, vector<31x128xf32> -> vector<31x128xf32>
    %swap3A_45 = arith.constant 2 : index
    %swap3A_46 = arith.constant 0 : index
    %swap3A_47 = arith.constant 0 : index
    %swap3A_48 = vector.load %arg2[%swap3A_45, %swap3A_46, %swap3A_47] : memref<7x31x128xf32, #tpu.memory_space<vmem>>, vector<1x31x128xf32>
    %swap3A_49 = vector.shape_cast %swap3A_48 : vector<1x31x128xf32> to vector<31x128xf32>
    %swap3A_50 = vector.shape_cast %dot_general3A_44 : vector<31x128xf32> to vector<1x31x128xf32>
    tpu.vector_store %arg2[%swap3A_45, %swap3A_46, %swap3A_47], %swap3A_50 {strides = array<i32>} : memref<7x31x128xf32, #tpu.memory_space<vmem>>, vector<1x31x128xf32>,
    %get3A_51 = arith.constant 3 : index
    %get3A_52 = arith.constant 0 : index
    %get3A_53 = arith.constant 0 : index
    %get3A_54 = vector.load %arg0[%get3A_51, %get3A_52, %get3A_53] : memref<7x31x128xf32, #tpu.memory_space<vmem>>, vector<1x31x128xf32>
    %get3A_55 = vector.shape_cast %get3A_54 : vector<1x31x128xf32> to vector<31x128xf32>
    %get3A_56 = arith.constant 3 : index
    %get3A_57 = arith.constant 0 : index
    %get3A_58 = arith.constant 0 : index
    %get3A_59 = vector.load %arg1[%get3A_56, %get3A_57, %get3A_58] : memref<7x128x128xf32, #tpu.memory_space<vmem>>, vector<1x128x128xf32>
    %get3A_60 = vector.shape_cast %get3A_59 : vector<1x128x128xf32> to vector<128x128xf32>
    %dot_general3A_61 = arith.constant dense<0.000000e+00> : vector<31x128xf32>
    %dot_general3A_62 = tpu.matmul %get3A_55, %get3A_60, %dot_general3A_61 {dimension_numbers = #tpu.dot_dimension_numbers<[1], [0], [0], [1], [0, 0, 1, 1], [], []>, transpose_lhs_hint = false} : vector<31x128xf32>, vector<128x128xf32>, vector<31x128xf32> -> vector<31x128xf32>
    %swap3A_63 = arith.constant 3 : index
    %swap3A_64 = arith.constant 0 : index
    %swap3A_65 = arith.constant 0 : index
    %swap3A_66 = vector.load %arg2[%swap3A_63, %swap3A_64, %swap3A_65] : memref<7x31x128xf32, #tpu.memory_space<vmem>>, vector<1x31x128xf32>
    %swap3A_67 = vector.shape_cast %swap3A_66 : vector<1x31x128xf32> to vector<31x128xf32>
    %swap3A_68 = vector.shape_cast %dot_general3A_62 : vector<31x128xf32> to vector<1x31x128xf32>
    tpu.vector_store %arg2[%swap3A_63, %swap3A_64, %swap3A_65], %swap3A_68 {strides = array<i32>} : memref<7x31x128xf32, #tpu.memory_space<vmem>>, vector<1x31x128xf32>,
    %get3A_69 = arith.constant 4 : index
    %get3A_70 = arith.constant 0 : index
    %get3A_71 = arith.constant 0 : index
    %get3A_72 = vector.load %arg0[%get3A_69, %get3A_70, %get3A_71] : memref<7x31x128xf32, #tpu.memory_space<vmem>>, vector<1x31x128xf32>
    %get3A_73 = vector.shape_cast %get3A_72 : vector<1x31x128xf32> to vector<31x128xf32>
    %get3A_74 = arith.constant 4 : index
    %get3A_75 = arith.constant 0 : index
    %get3A_76 = arith.constant 0 : index
    %get3A_77 = vector.load %arg1[%get3A_74, %get3A_75, %get3A_76] : memref<7x128x128xf32, #tpu.memory_space<vmem>>, vector<1x128x128xf32>
    %get3A_78 = vector.shape_cast %get3A_77 : vector<1x128x128xf32> to vector<128x128xf32>
    %dot_general3A_79 = arith.constant dense<0.000000e+00> : vector<31x128xf32>
    %dot_general3A_80 = tpu.matmul %get3A_73, %get3A_78, %dot_general3A_79 {dimension_numbers = #tpu.dot_dimension_numbers<[1], [0], [0], [1], [0, 0, 1, 1], [], []>, transpose_lhs_hint = false} : vector<31x128xf32>, vector<128x128xf32>, vector<31x128xf32> -> vector<31x128xf32>
    %swap3A_81 = arith.constant 4 : index
    %swap3A_82 = arith.constant 0 : index
    %swap3A_83 = arith.constant 0 : index
    %swap3A_84 = vector.load %arg2[%swap3A_81, %swap3A_82, %swap3A_83] : memref<7x31x128xf32, #tpu.memory_space<vmem>>, vector<1x31x128xf32>
    %swap3A_85 = vector.shape_cast %swap3A_84 : vector<1x31x128xf32> to vector<31x128xf32>
    %swap3A_86 = vector.shape_cast %dot_general3A_80 : vector<31x128xf32> to vector<1x31x128xf32>
    tpu.vector_store %arg2[%swap3A_81, %swap3A_82, %swap3A_83], %swap3A_86 {strides = array<i32>} : memref<7x31x128xf32, #tpu.memory_space<vmem>>, vector<1x31x128xf32>,
    %get3A_87 = arith.constant 5 : index
    %get3A_88 = arith.constant 0 : index
    %get3A_89 = arith.constant 0 : index
    %get3A_90 = vector.load %arg0[%get3A_87, %get3A_88, %get3A_89] : memref<7x31x128xf32, #tpu.memory_space<vmem>>, vector<1x31x128xf32>
    %get3A_91 = vector.shape_cast %get3A_90 : vector<1x31x128xf32> to vector<31x128xf32>
    %get3A_92 = arith.constant 5 : index
    %get3A_93 = arith.constant 0 : index
    %get3A_94 = arith.constant 0 : index
    %get3A_95 = vector.load %arg1[%get3A_92, %get3A_93, %get3A_94] : memref<7x128x128xf32, #tpu.memory_space<vmem>>, vector<1x128x128xf32>
    %get3A_96 = vector.shape_cast %get3A_95 : vector<1x128x128xf32> to vector<128x128xf32>
    %dot_general3A_97 = arith.constant dense<0.000000e+00> : vector<31x128xf32>
    %dot_general3A_98 = tpu.matmul %get3A_91, %get3A_96, %dot_general3A_97 {dimension_numbers = #tpu.dot_dimension_numbers<[1], [0], [0], [1], [0, 0, 1, 1], [], []>, transpose_lhs_hint = false} : vector<31x128xf32>, vector<128x128xf32>, vector<31x128xf32> -> vector<31x128xf32>
    %swap3A_99 = arith.constant 5 : index
    %swap3A_100 = arith.constant 0 : index
    %swap3A_101 = arith.constant 0 : index
    %swap3A_102 = vector.load %arg2[%swap3A_99, %swap3A_100, %swap3A_101] : memref<7x31x128xf32, #tpu.memory_space<vmem>>, vector<1x31x128xf32>
    %swap3A_103 = vector.shape_cast %swap3A_102 : vector<1x31x128xf32> to vector<31x128xf32>
    %swap3A_104 = vector.shape_cast %dot_general3A_98 : vector<31x128xf32> to vector<1x31x128xf32>
    tpu.vector_store %arg2[%swap3A_99, %swap3A_100, %swap3A_101], %swap3A_104 {strides = array<i32>} : memref<7x31x128xf32, #tpu.memory_space<vmem>>, vector<1x31x128xf32>,
    %get3A_105 = arith.constant 6 : index
    %get3A_106 = arith.constant 0 : index
    %get3A_107 = arith.constant 0 : index
    %get3A_108 = vector.load %arg0[%get3A_105, %get3A_106, %get3A_107] : memref<7x31x128xf32, #tpu.memory_space<vmem>>, vector<1x31x128xf32>
    %get3A_109 = vector.shape_cast %get3A_108 : vector<1x31x128xf32> to vector<31x128xf32>
    %get3A_110 = arith.constant 6 : index
    %get3A_111 = arith.constant 0 : index
    %get3A_112 = arith.constant 0 : index
    %get3A_113 = vector.load %arg1[%get3A_110, %get3A_111, %get3A_112] : memref<7x128x128xf32, #tpu.memory_space<vmem>>, vector<1x128x128xf32>
    %get3A_114 = vector.shape_cast %get3A_113 : vector<1x128x128xf32> to vector<128x128xf32>
    %dot_general3A_115 = arith.constant dense<0.000000e+00> : vector<31x128xf32>
    %dot_general3A_116 = tpu.matmul %get3A_109, %get3A_114, %dot_general3A_115 {dimension_numbers = #tpu.dot_dimension_numbers<[1], [0], [0], [1], [0, 0, 1, 1], [], []>, transpose_lhs_hint = false} : vector<31x128xf32>, vector<128x128xf32>, vector<31x128xf32> -> vector<31x128xf32>
    %swap3A_117 = arith.constant 6 : index
    %swap3A_118 = arith.constant 0 : index
    %swap3A_119 = arith.constant 0 : index
    %swap3A_120 = vector.load %arg2[%swap3A_117, %swap3A_118, %swap3A_119] : memref<7x31x128xf32, #tpu.memory_space<vmem>>, vector<1x31x128xf32>
    %swap3A_121 = vector.shape_cast %swap3A_120 : vector<1x31x128xf32> to vector<31x128xf32>
    %swap3A_122 = vector.shape_cast %dot_general3A_116 : vector<31x128xf32> to vector<1x31x128xf32>
    tpu.vector_store %arg2[%swap3A_117, %swap3A_118, %swap3A_119], %swap3A_122 {strides = array<i32>} : memref<7x31x128xf32, #tpu.memory_space<vmem>>, vector<1x31x128xf32>,
    return
  }
}

module attributes {stable_mosaic.version = 14 : i64} {
  func.func @_build_body(%arg0: i32, %arg1: memref<7x31x128xf32, #tpu.memory_space<vmem>>, %arg2: memref<1x961x128xf32, #tpu.memory_space<vmem>>) attributes {dimension_semantics = [#tpu.dimension_semantics<arbitrary>], iteration_bounds = array<i64: 33>, scalar_prefetch = 0 : i64, scratch_operands = 0 : i64, tpu.core_type = #tpu.core_type<tc>, window_params = [{pipeline_mode = #tpu.pipeline_mode<synchronous>, transform_indices = @transform_0, window_bounds = array<i64: 7, 31, 128>}, {transform_indices = @transform_1, window_bounds = array<i64: 1, 961, 128>}]} {
    %lt3A = arith.constant 31 : i32
    %lt3A_0 = arith.cmpi slt, %arg0, %lt3A : i32
    %convert_element_type3A = arith.extui %lt3A_0 : i1 to i32
    %cond3A = arith.constant 0 : i32
    %cond3A_1 = arith.cmpi ne, %convert_element_type3A, %cond3A : i32
    scf.if %cond3A_1 {
      %get3A = arith.constant 1 : index
      %get3A_11 = arith.constant 0 : index
      %get3A_12 = arith.constant 0 : index
      %get3A_13 = vector.load %arg1[%get3A, %get3A_11, %get3A_12] : memref<7x31x128xf32, #tpu.memory_space<vmem>>, vector<1x31x128xf32>
      %get3A_14 = vector.shape_cast %get3A_13 : vector<1x31x128xf32> to vector<31x128xf32>
      %broadcast_in_dim3A = vector.shape_cast %get3A_14 : vector<31x128xf32> to vector<31x1x128xf32>
      %get3A_15 = arith.constant 2 : index
      %get3A_16 = arith.constant 0 : index
      %get3A_17 = arith.constant 0 : index
      %get3A_18 = vector.load %arg1[%get3A_15, %get3A_16, %get3A_17] : memref<7x31x128xf32, #tpu.memory_space<vmem>>, vector<1x31x128xf32>
      %get3A_19 = vector.shape_cast %get3A_18 : vector<1x31x128xf32> to vector<31x128xf32>
      %broadcast_in_dim3A_20 = vector.shape_cast %get3A_19 : vector<31x128xf32> to vector<1x31x128xf32>
      %add3A = vector.broadcast %broadcast_in_dim3A : vector<31x1x128xf32> to vector<31x31x128xf32>
      %add3A_21 = vector.broadcast %broadcast_in_dim3A_20 : vector<1x31x128xf32> to vector<31x31x128xf32>
      %add3A_22 = arith.addf %add3A, %add3A_21 : vector<31x31x128xf32>
      %min3A = arith.constant 30 : i32
      %min3A_23 = arith.minsi %arg0, %min3A : i32
      %get3A_24 = arith.constant 0 : index
      %get3A_25 = arith.index_cast %min3A_23 : i32 to index
      %get3A_26 = arith.constant 0 : index
      %get3A_27 = vector.load %arg1[%get3A_24, %get3A_25, %get3A_26] : memref<7x31x128xf32, #tpu.memory_space<vmem>>, vector<1x1x128xf32>
      %get3A_28 = vector.shape_cast %get3A_27 : vector<1x1x128xf32> to vector<1x128xf32>
      %squeeze3A = vector.shape_cast %get3A_28 : vector<1x128xf32> to vector<128xf32>
      %broadcast_in_dim3A_29 = vector.shape_cast %squeeze3A : vector<128xf32> to vector<1x1x128xf32>
      %add3A_30 = vector.broadcast %broadcast_in_dim3A_29 : vector<1x1x128xf32> to vector<31x31x128xf32>
      %add3A_31 = arith.addf %add3A_30, %add3A_22 : vector<31x31x128xf32>
      %reshape3A = vector.shape_cast %add3A_31 : vector<31x31x128xf32> to vector<961x128xf32>
      %swap3A = arith.constant 0 : index
      %swap3A_32 = arith.constant 0 : index
      %swap3A_33 = arith.constant 0 : index
      %swap3A_34 = vector.load %arg2[%swap3A, %swap3A_32, %swap3A_33] : memref<1x961x128xf32, #tpu.memory_space<vmem>>, vector<1x961x128xf32>
      %swap3A_35 = vector.shape_cast %swap3A_34 : vector<1x961x128xf32> to vector<961x128xf32>
      %swap3A_36 = vector.shape_cast %reshape3A : vector<961x128xf32> to vector<1x961x128xf32>
      tpu.vector_store %arg2[%swap3A, %swap3A_32, %swap3A_33], %swap3A_36 {strides = array<i32>} : memref<1x961x128xf32, #tpu.memory_space<vmem>>, vector<1x961x128xf32>,
    } else {
    }
    %eq3A = arith.constant 31 : i32
    %eq3A_2 = arith.cmpi eq, %arg0, %eq3A : i32
    %convert_element_type3A_3 = arith.extui %eq3A_2 : i1 to i32
    %cond3A_4 = arith.constant 0 : i32
    %cond3A_5 = arith.cmpi ne, %convert_element_type3A_3, %cond3A_4 : i32
    scf.if %cond3A_5 {
      %get3A = arith.constant 3 : index
      %get3A_11 = arith.constant 0 : index
      %get3A_12 = arith.constant 0 : index
      %get3A_13 = vector.load %arg1[%get3A, %get3A_11, %get3A_12] : memref<7x31x128xf32, #tpu.memory_space<vmem>>, vector<1x31x128xf32>
      %get3A_14 = vector.shape_cast %get3A_13 : vector<1x31x128xf32> to vector<31x128xf32>
      %broadcast_in_dim3A = vector.shape_cast %get3A_14 : vector<31x128xf32> to vector<31x1x128xf32>
      %get3A_15 = arith.constant 4 : index
      %get3A_16 = arith.constant 0 : index
      %get3A_17 = arith.constant 0 : index
      %get3A_18 = vector.load %arg1[%get3A_15, %get3A_16, %get3A_17] : memref<7x31x128xf32, #tpu.memory_space<vmem>>, vector<1x31x128xf32>
      %get3A_19 = vector.shape_cast %get3A_18 : vector<1x31x128xf32> to vector<31x128xf32>
      %broadcast_in_dim3A_20 = vector.shape_cast %get3A_19 : vector<31x128xf32> to vector<1x31x128xf32>
      %add3A = vector.broadcast %broadcast_in_dim3A : vector<31x1x128xf32> to vector<31x31x128xf32>
      %add3A_21 = vector.broadcast %broadcast_in_dim3A_20 : vector<1x31x128xf32> to vector<31x31x128xf32>
      %add3A_22 = arith.addf %add3A, %add3A_21 : vector<31x31x128xf32>
      %reshape3A = vector.shape_cast %add3A_22 : vector<31x31x128xf32> to vector<961x128xf32>
      %swap3A = arith.constant 0 : index
      %swap3A_23 = arith.constant 0 : index
      %swap3A_24 = arith.constant 0 : index
      %swap3A_25 = vector.load %arg2[%swap3A, %swap3A_23, %swap3A_24] : memref<1x961x128xf32, #tpu.memory_space<vmem>>, vector<1x961x128xf32>
      %swap3A_26 = vector.shape_cast %swap3A_25 : vector<1x961x128xf32> to vector<961x128xf32>
      %swap3A_27 = vector.shape_cast %reshape3A : vector<961x128xf32> to vector<1x961x128xf32>
      tpu.vector_store %arg2[%swap3A, %swap3A_23, %swap3A_24], %swap3A_27 {strides = array<i32>} : memref<1x961x128xf32, #tpu.memory_space<vmem>>, vector<1x961x128xf32>,
    } else {
    }
    %eq3A_6 = arith.constant 32 : i32
    %eq3A_7 = arith.cmpi eq, %arg0, %eq3A_6 : i32
    %convert_element_type3A_8 = arith.extui %eq3A_7 : i1 to i32
    %cond3A_9 = arith.constant 0 : i32
    %cond3A_10 = arith.cmpi ne, %convert_element_type3A_8, %cond3A_9 : i32
    scf.if %cond3A_10 {
      %get3A = arith.constant 5 : index
      %get3A_11 = arith.constant 0 : index
      %get3A_12 = arith.constant 0 : index
      %get3A_13 = vector.load %arg1[%get3A, %get3A_11, %get3A_12] : memref<7x31x128xf32, #tpu.memory_space<vmem>>, vector<1x31x128xf32>
      %get3A_14 = vector.shape_cast %get3A_13 : vector<1x31x128xf32> to vector<31x128xf32>
      %broadcast_in_dim3A = vector.shape_cast %get3A_14 : vector<31x128xf32> to vector<31x1x128xf32>
      %get3A_15 = arith.constant 6 : index
      %get3A_16 = arith.constant 0 : index
      %get3A_17 = arith.constant 0 : index
      %get3A_18 = vector.load %arg1[%get3A_15, %get3A_16, %get3A_17] : memref<7x31x128xf32, #tpu.memory_space<vmem>>, vector<1x31x128xf32>
      %get3A_19 = vector.shape_cast %get3A_18 : vector<1x31x128xf32> to vector<31x128xf32>
      %broadcast_in_dim3A_20 = vector.shape_cast %get3A_19 : vector<31x128xf32> to vector<1x31x128xf32>
      %add3A = vector.broadcast %broadcast_in_dim3A : vector<31x1x128xf32> to vector<31x31x128xf32>
      %add3A_21 = vector.broadcast %broadcast_in_dim3A_20 : vector<1x31x128xf32> to vector<31x31x128xf32>
      %add3A_22 = arith.addf %add3A, %add3A_21 : vector<31x31x128xf32>
      %reshape3A = vector.shape_cast %add3A_22 : vector<31x31x128xf32> to vector<961x128xf32>
      %swap3A = arith.constant 0 : index
      %swap3A_23 = arith.constant 0 : index
      %swap3A_24 = arith.constant 0 : index
      %swap3A_25 = vector.load %arg2[%swap3A, %swap3A_23, %swap3A_24] : memref<1x961x128xf32, #tpu.memory_space<vmem>>, vector<1x961x128xf32>
      %swap3A_26 = vector.shape_cast %swap3A_25 : vector<1x961x128xf32> to vector<961x128xf32>
      %swap3A_27 = vector.shape_cast %reshape3A : vector<961x128xf32> to vector<1x961x128xf32>
      tpu.vector_store %arg2[%swap3A, %swap3A_23, %swap3A_24], %swap3A_27 {strides = array<i32>} : memref<1x961x128xf32, #tpu.memory_space<vmem>>, vector<1x961x128xf32>,
    } else {
    }
    return
  }
  func.func @transform_0(%arg0: i32) -> (i32, i32, i32) {
    %c0_i32 = arith.constant 0 : i32
    %c0_i32_0 = arith.constant 0 : i32
    %c0_i32_1 = arith.constant 0 : i32
    %c0_i32_2 = arith.constant 0 : i32
    return %c0_i32, %c0_i32_0, %c0_i32_1 : i32, i32, i32
  }
  func.func @transform_1(%arg0: i32) -> (i32, i32, i32) {
    %c0_i32 = arith.constant 0 : i32
    %c0_i32_0 = arith.constant 0 : i32
    %c0_i32_1 = arith.constant 0 : i32
    return %arg0, %c0_i32, %c0_i32_0 : i32, i32, i32
  }
}

module attributes {stable_mosaic.version = 14 : i64} {
  func.func @_tail_body(%arg0: i32, %arg1: memref<800x128xf32, #tpu.memory_space<vmem>>, %arg2: memref<1x128xf32, #tpu.memory_space<vmem>>, %arg3: memref<128x128xf32, #tpu.memory_space<vmem>>, %arg4: memref<1x128xf32, #tpu.memory_space<vmem>>, %arg5: memref<16x50x128xf32, #tpu.memory_space<vmem>>) attributes {dimension_semantics = [#tpu.dimension_semantics<arbitrary>], iteration_bounds = array<i64: 256>, scalar_prefetch = 0 : i64, scratch_operands = 0 : i64, tpu.core_type = #tpu.core_type<tc>, window_params = [{transform_indices = @transform_0, window_bounds = array<i64: 800, 128>}, {pipeline_mode = #tpu.pipeline_mode<synchronous>, transform_indices = @transform_1, window_bounds = array<i64: 1, 128>}, {pipeline_mode = #tpu.pipeline_mode<synchronous>, transform_indices = @transform_2, window_bounds = array<i64: 128, 128>}, {pipeline_mode = #tpu.pipeline_mode<synchronous>, transform_indices = @transform_3, window_bounds = array<i64: 1, 128>}, {transform_indices = @transform_4, window_bounds = array<i64: 16, 50, 128>}]} {
    %get3A = arith.constant 0 : index
    %get3A_0 = arith.constant 0 : index
    %get3A_1 = vector.load %arg1[%get3A, %get3A_0] : memref<800x128xf32, #tpu.memory_space<vmem>>, vector<800x128xf32>
    %get3A_2 = arith.constant 0 : index
    %get3A_3 = arith.constant 0 : index
    %get3A_4 = vector.load %arg2[%get3A_2, %get3A_3] : memref<1x128xf32, #tpu.memory_space<vmem>>, vector<1x128xf32>
    %add3A = vector.broadcast %get3A_4 : vector<1x128xf32> to vector<800x128xf32>
    %add3A_5 = arith.addf %get3A_1, %add3A : vector<800x128xf32>
    %max3A = arith.constant 0.000000e+00 : f32
    %max3A_6 = vector.broadcast %max3A : f32 to vector<800x128xf32>
    %max3A_7 = arith.maximumf %add3A_5, %max3A_6 : vector<800x128xf32>
    %get3A_8 = arith.constant 0 : index
    %get3A_9 = arith.constant 0 : index
    %get3A_10 = vector.load %arg3[%get3A_8, %get3A_9] : memref<128x128xf32, #tpu.memory_space<vmem>>, vector<128x128xf32>
    %dot_general3A = arith.constant dense<0.000000e+00> : vector<800x128xf32>
    %dot_general3A_11 = tpu.matmul %max3A_7, %get3A_10, %dot_general3A {dimension_numbers = #tpu.dot_dimension_numbers<[1], [0], [0], [1], [0, 0, 1, 1], [], []>, transpose_lhs_hint = false} : vector<800x128xf32>, vector<128x128xf32>, vector<800x128xf32> -> vector<800x128xf32>
    %get3A_12 = arith.constant 0 : index
    %get3A_13 = arith.constant 0 : index
    %get3A_14 = vector.load %arg4[%get3A_12, %get3A_13] : memref<1x128xf32, #tpu.memory_space<vmem>>, vector<1x128xf32>
    %add3A_15 = vector.broadcast %get3A_14 : vector<1x128xf32> to vector<800x128xf32>
    %add3A_16 = arith.addf %dot_general3A_11, %add3A_15 : vector<800x128xf32>
    %slice3A = vector.extract_strided_slice %add3A_16 {offsets = [0, 0], sizes = [50, 128], strides = [1, 1]} : vector<800x128xf32> to vector<50x128xf32>
    %swap3A = arith.constant 0 : index
    %swap3A_17 = arith.constant 0 : index
    %swap3A_18 = arith.constant 0 : index
    %swap3A_19 = vector.load %arg5[%swap3A, %swap3A_17, %swap3A_18] : memref<16x50x128xf32, #tpu.memory_space<vmem>>, vector<1x50x128xf32>
    %swap3A_20 = vector.shape_cast %swap3A_19 : vector<1x50x128xf32> to vector<50x128xf32>
    %swap3A_21 = vector.shape_cast %slice3A : vector<50x128xf32> to vector<1x50x128xf32>
    tpu.vector_store %arg5[%swap3A, %swap3A_17, %swap3A_18], %swap3A_21 {strides = array<i32>} : memref<16x50x128xf32, #tpu.memory_space<vmem>>, vector<1x50x128xf32>,
    %slice3A_22 = vector.extract_strided_slice %add3A_16 {offsets = [50, 0], sizes = [50, 128], strides = [1, 1]} : vector<800x128xf32> to vector<50x128xf32>
    %swap3A_23 = arith.constant 1 : index
    %swap3A_24 = arith.constant 0 : index
    %swap3A_25 = arith.constant 0 : index
    %swap3A_26 = vector.load %arg5[%swap3A_23, %swap3A_24, %swap3A_25] : memref<16x50x128xf32, #tpu.memory_space<vmem>>, vector<1x50x128xf32>
    %swap3A_27 = vector.shape_cast %swap3A_26 : vector<1x50x128xf32> to vector<50x128xf32>
    %swap3A_28 = vector.shape_cast %slice3A_22 : vector<50x128xf32> to vector<1x50x128xf32>
    tpu.vector_store %arg5[%swap3A_23, %swap3A_24, %swap3A_25], %swap3A_28 {strides = array<i32>} : memref<16x50x128xf32, #tpu.memory_space<vmem>>, vector<1x50x128xf32>,
    %slice3A_29 = vector.extract_strided_slice %add3A_16 {offsets = [100, 0], sizes = [50, 128], strides = [1, 1]} : vector<800x128xf32> to vector<50x128xf32>
    %swap3A_30 = arith.constant 2 : index
    %swap3A_31 = arith.constant 0 : index
    %swap3A_32 = arith.constant 0 : index
    %swap3A_33 = vector.load %arg5[%swap3A_30, %swap3A_31, %swap3A_32] : memref<16x50x128xf32, #tpu.memory_space<vmem>>, vector<1x50x128xf32>
    %swap3A_34 = vector.shape_cast %swap3A_33 : vector<1x50x128xf32> to vector<50x128xf32>
    %swap3A_35 = vector.shape_cast %slice3A_29 : vector<50x128xf32> to vector<1x50x128xf32>
    tpu.vector_store %arg5[%swap3A_30, %swap3A_31, %swap3A_32], %swap3A_35 {strides = array<i32>} : memref<16x50x128xf32, #tpu.memory_space<vmem>>, vector<1x50x128xf32>,
    %slice3A_36 = vector.extract_strided_slice %add3A_16 {offsets = [150, 0], sizes = [50, 128], strides = [1, 1]} : vector<800x128xf32> to vector<50x128xf32>
    %swap3A_37 = arith.constant 3 : index
    %swap3A_38 = arith.constant 0 : index
    %swap3A_39 = arith.constant 0 : index
    %swap3A_40 = vector.load %arg5[%swap3A_37, %swap3A_38, %swap3A_39] : memref<16x50x128xf32, #tpu.memory_space<vmem>>, vector<1x50x128xf32>
    %swap3A_41 = vector.shape_cast %swap3A_40 : vector<1x50x128xf32> to vector<50x128xf32>
    %swap3A_42 = vector.shape_cast %slice3A_36 : vector<50x128xf32> to vector<1x50x128xf32>
    tpu.vector_store %arg5[%swap3A_37, %swap3A_38, %swap3A_39], %swap3A_42 {strides = array<i32>} : memref<16x50x128xf32, #tpu.memory_space<vmem>>, vector<1x50x128xf32>,
    %slice3A_43 = vector.extract_strided_slice %add3A_16 {offsets = [200, 0], sizes = [50, 128], strides = [1, 1]} : vector<800x128xf32> to vector<50x128xf32>
    %swap3A_44 = arith.constant 4 : index
    %swap3A_45 = arith.constant 0 : index
    %swap3A_46 = arith.constant 0 : index
    %swap3A_47 = vector.load %arg5[%swap3A_44, %swap3A_45, %swap3A_46] : memref<16x50x128xf32, #tpu.memory_space<vmem>>, vector<1x50x128xf32>
    %swap3A_48 = vector.shape_cast %swap3A_47 : vector<1x50x128xf32> to vector<50x128xf32>
    %swap3A_49 = vector.shape_cast %slice3A_43 : vector<50x128xf32> to vector<1x50x128xf32>
    tpu.vector_store %arg5[%swap3A_44, %swap3A_45, %swap3A_46], %swap3A_49 {strides = array<i32>} : memref<16x50x128xf32, #tpu.memory_space<vmem>>, vector<1x50x128xf32>,
    %slice3A_50 = vector.extract_strided_slice %add3A_16 {offsets = [250, 0], sizes = [50, 128], strides = [1, 1]} : vector<800x128xf32> to vector<50x128xf32>
    %swap3A_51 = arith.constant 5 : index
    %swap3A_52 = arith.constant 0 : index
    %swap3A_53 = arith.constant 0 : index
    %swap3A_54 = vector.load %arg5[%swap3A_51, %swap3A_52, %swap3A_53] : memref<16x50x128xf32, #tpu.memory_space<vmem>>, vector<1x50x128xf32>
    %swap3A_55 = vector.shape_cast %swap3A_54 : vector<1x50x128xf32> to vector<50x128xf32>
    %swap3A_56 = vector.shape_cast %slice3A_50 : vector<50x128xf32> to vector<1x50x128xf32>
    tpu.vector_store %arg5[%swap3A_51, %swap3A_52, %swap3A_53], %swap3A_56 {strides = array<i32>} : memref<16x50x128xf32, #tpu.memory_space<vmem>>, vector<1x50x128xf32>,
    %slice3A_57 = vector.extract_strided_slice %add3A_16 {offsets = [300, 0], sizes = [50, 128], strides = [1, 1]} : vector<800x128xf32> to vector<50x128xf32>
    %swap3A_58 = arith.constant 6 : index
    %swap3A_59 = arith.constant 0 : index
    %swap3A_60 = arith.constant 0 : index
    %swap3A_61 = vector.load %arg5[%swap3A_58, %swap3A_59, %swap3A_60] : memref<16x50x128xf32, #tpu.memory_space<vmem>>, vector<1x50x128xf32>
    %swap3A_62 = vector.shape_cast %swap3A_61 : vector<1x50x128xf32> to vector<50x128xf32>
    %swap3A_63 = vector.shape_cast %slice3A_57 : vector<50x128xf32> to vector<1x50x128xf32>
    tpu.vector_store %arg5[%swap3A_58, %swap3A_59, %swap3A_60], %swap3A_63 {strides = array<i32>} : memref<16x50x128xf32, #tpu.memory_space<vmem>>, vector<1x50x128xf32>,
    %slice3A_64 = vector.extract_strided_slice %add3A_16 {offsets = [350, 0], sizes = [50, 128], strides = [1, 1]} : vector<800x128xf32> to vector<50x128xf32>
    %swap3A_65 = arith.constant 7 : index
    %swap3A_66 = arith.constant 0 : index
    %swap3A_67 = arith.constant 0 : index
    %swap3A_68 = vector.load %arg5[%swap3A_65, %swap3A_66, %swap3A_67] : memref<16x50x128xf32, #tpu.memory_space<vmem>>, vector<1x50x128xf32>
    %swap3A_69 = vector.shape_cast %swap3A_68 : vector<1x50x128xf32> to vector<50x128xf32>
    %swap3A_70 = vector.shape_cast %slice3A_64 : vector<50x128xf32> to vector<1x50x128xf32>
    tpu.vector_store %arg5[%swap3A_65, %swap3A_66, %swap3A_67], %swap3A_70 {strides = array<i32>} : memref<16x50x128xf32, #tpu.memory_space<vmem>>, vector<1x50x128xf32>,
    %slice3A_71 = vector.extract_strided_slice %add3A_16 {offsets = [400, 0], sizes = [50, 128], strides = [1, 1]} : vector<800x128xf32> to vector<50x128xf32>
    %swap3A_72 = arith.constant 8 : index
    %swap3A_73 = arith.constant 0 : index
    %swap3A_74 = arith.constant 0 : index
    %swap3A_75 = vector.load %arg5[%swap3A_72, %swap3A_73, %swap3A_74] : memref<16x50x128xf32, #tpu.memory_space<vmem>>, vector<1x50x128xf32>
    %swap3A_76 = vector.shape_cast %swap3A_75 : vector<1x50x128xf32> to vector<50x128xf32>
    %swap3A_77 = vector.shape_cast %slice3A_71 : vector<50x128xf32> to vector<1x50x128xf32>
    tpu.vector_store %arg5[%swap3A_72, %swap3A_73, %swap3A_74], %swap3A_77 {strides = array<i32>} : memref<16x50x128xf32, #tpu.memory_space<vmem>>, vector<1x50x128xf32>,
    %slice3A_78 = vector.extract_strided_slice %add3A_16 {offsets = [450, 0], sizes = [50, 128], strides = [1, 1]} : vector<800x128xf32> to vector<50x128xf32>
    %swap3A_79 = arith.constant 9 : index
    %swap3A_80 = arith.constant 0 : index
    %swap3A_81 = arith.constant 0 : index
    %swap3A_82 = vector.load %arg5[%swap3A_79, %swap3A_80, %swap3A_81] : memref<16x50x128xf32, #tpu.memory_space<vmem>>, vector<1x50x128xf32>
    %swap3A_83 = vector.shape_cast %swap3A_82 : vector<1x50x128xf32> to vector<50x128xf32>
    %swap3A_84 = vector.shape_cast %slice3A_78 : vector<50x128xf32> to vector<1x50x128xf32>
    tpu.vector_store %arg5[%swap3A_79, %swap3A_80, %swap3A_81], %swap3A_84 {strides = array<i32>} : memref<16x50x128xf32, #tpu.memory_space<vmem>>, vector<1x50x128xf32>,
    %slice3A_85 = vector.extract_strided_slice %add3A_16 {offsets = [500, 0], sizes = [50, 128], strides = [1, 1]} : vector<800x128xf32> to vector<50x128xf32>
    %swap3A_86 = arith.constant 10 : index
    %swap3A_87 = arith.constant 0 : index
    %swap3A_88 = arith.constant 0 : index
    %swap3A_89 = vector.load %arg5[%swap3A_86, %swap3A_87, %swap3A_88] : memref<16x50x128xf32, #tpu.memory_space<vmem>>, vector<1x50x128xf32>
    %swap3A_90 = vector.shape_cast %swap3A_89 : vector<1x50x128xf32> to vector<50x128xf32>
    %swap3A_91 = vector.shape_cast %slice3A_85 : vector<50x128xf32> to vector<1x50x128xf32>
    tpu.vector_store %arg5[%swap3A_86, %swap3A_87, %swap3A_88], %swap3A_91 {strides = array<i32>} : memref<16x50x128xf32, #tpu.memory_space<vmem>>, vector<1x50x128xf32>,
    %slice3A_92 = vector.extract_strided_slice %add3A_16 {offsets = [550, 0], sizes = [50, 128], strides = [1, 1]} : vector<800x128xf32> to vector<50x128xf32>
    %swap3A_93 = arith.constant 11 : index
    %swap3A_94 = arith.constant 0 : index
    %swap3A_95 = arith.constant 0 : index
    %swap3A_96 = vector.load %arg5[%swap3A_93, %swap3A_94, %swap3A_95] : memref<16x50x128xf32, #tpu.memory_space<vmem>>, vector<1x50x128xf32>
    %swap3A_97 = vector.shape_cast %swap3A_96 : vector<1x50x128xf32> to vector<50x128xf32>
    %swap3A_98 = vector.shape_cast %slice3A_92 : vector<50x128xf32> to vector<1x50x128xf32>
    tpu.vector_store %arg5[%swap3A_93, %swap3A_94, %swap3A_95], %swap3A_98 {strides = array<i32>} : memref<16x50x128xf32, #tpu.memory_space<vmem>>, vector<1x50x128xf32>,
    %slice3A_99 = vector.extract_strided_slice %add3A_16 {offsets = [600, 0], sizes = [50, 128], strides = [1, 1]} : vector<800x128xf32> to vector<50x128xf32>
    %swap3A_100 = arith.constant 12 : index
    %swap3A_101 = arith.constant 0 : index
    %swap3A_102 = arith.constant 0 : index
    %swap3A_103 = vector.load %arg5[%swap3A_100, %swap3A_101, %swap3A_102] : memref<16x50x128xf32, #tpu.memory_space<vmem>>, vector<1x50x128xf32>
    %swap3A_104 = vector.shape_cast %swap3A_103 : vector<1x50x128xf32> to vector<50x128xf32>
    %swap3A_105 = vector.shape_cast %slice3A_99 : vector<50x128xf32> to vector<1x50x128xf32>
    tpu.vector_store %arg5[%swap3A_100, %swap3A_101, %swap3A_102], %swap3A_105 {strides = array<i32>} : memref<16x50x128xf32, #tpu.memory_space<vmem>>, vector<1x50x128xf32>,
    %slice3A_106 = vector.extract_strided_slice %add3A_16 {offsets = [650, 0], sizes = [50, 128], strides = [1, 1]} : vector<800x128xf32> to vector<50x128xf32>
    %swap3A_107 = arith.constant 13 : index
    %swap3A_108 = arith.constant 0 : index
    %swap3A_109 = arith.constant 0 : index
    %swap3A_110 = vector.load %arg5[%swap3A_107, %swap3A_108, %swap3A_109] : memref<16x50x128xf32, #tpu.memory_space<vmem>>, vector<1x50x128xf32>
    %swap3A_111 = vector.shape_cast %swap3A_110 : vector<1x50x128xf32> to vector<50x128xf32>
    %swap3A_112 = vector.shape_cast %slice3A_106 : vector<50x128xf32> to vector<1x50x128xf32>
    tpu.vector_store %arg5[%swap3A_107, %swap3A_108, %swap3A_109], %swap3A_112 {strides = array<i32>} : memref<16x50x128xf32, #tpu.memory_space<vmem>>, vector<1x50x128xf32>,
    %slice3A_113 = vector.extract_strided_slice %add3A_16 {offsets = [700, 0], sizes = [50, 128], strides = [1, 1]} : vector<800x128xf32> to vector<50x128xf32>
    %swap3A_114 = arith.constant 14 : index
    %swap3A_115 = arith.constant 0 : index
    %swap3A_116 = arith.constant 0 : index
    %swap3A_117 = vector.load %arg5[%swap3A_114, %swap3A_115, %swap3A_116] : memref<16x50x128xf32, #tpu.memory_space<vmem>>, vector<1x50x128xf32>
    %swap3A_118 = vector.shape_cast %swap3A_117 : vector<1x50x128xf32> to vector<50x128xf32>
    %swap3A_119 = vector.shape_cast %slice3A_113 : vector<50x128xf32> to vector<1x50x128xf32>
    tpu.vector_store %arg5[%swap3A_114, %swap3A_115, %swap3A_116], %swap3A_119 {strides = array<i32>} : memref<16x50x128xf32, #tpu.memory_space<vmem>>, vector<1x50x128xf32>,
    %slice3A_120 = vector.extract_strided_slice %add3A_16 {offsets = [750, 0], sizes = [50, 128], strides = [1, 1]} : vector<800x128xf32> to vector<50x128xf32>
    %swap3A_121 = arith.constant 15 : index
    %swap3A_122 = arith.constant 0 : index
    %swap3A_123 = arith.constant 0 : index
    %swap3A_124 = vector.load %arg5[%swap3A_121, %swap3A_122, %swap3A_123] : memref<16x50x128xf32, #tpu.memory_space<vmem>>, vector<1x50x128xf32>
    %swap3A_125 = vector.shape_cast %swap3A_124 : vector<1x50x128xf32> to vector<50x128xf32>
    %swap3A_126 = vector.shape_cast %slice3A_120 : vector<50x128xf32> to vector<1x50x128xf32>
    tpu.vector_store %arg5[%swap3A_121, %swap3A_122, %swap3A_123], %swap3A_126 {strides = array<i32>} : memref<16x50x128xf32, #tpu.memory_space<vmem>>, vector<1x50x128xf32>,
    return
  }
  func.func @transform_0(%arg0: i32) -> (i32, i32) {
    %c0_i32 = arith.constant 0 : i32
    %c0_i32_0 = arith.constant 0 : i32
    return %arg0, %c0_i32 : i32, i32
  }
  func.func @transform_1(%arg0: i32) -> (i32, i32) {
    %c0_i32 = arith.constant 0 : i32
    %c0_i32_0 = arith.constant 0 : i32
    %c0_i32_1 = arith.constant 0 : i32
    return %c0_i32, %c0_i32_0 : i32, i32
  }
  func.func @transform_2(%arg0: i32) -> (i32, i32) {
    %c0_i32 = arith.constant 0 : i32
    %c0_i32_0 = arith.constant 0 : i32
    %c0_i32_1 = arith.constant 0 : i32
    return %c0_i32, %c0_i32_0 : i32, i32
  }
  func.func @transform_3(%arg0: i32) -> (i32, i32) {
    %c0_i32 = arith.constant 0 : i32
    %c0_i32_0 = arith.constant 0 : i32
    %c0_i32_1 = arith.constant 0 : i32
    return %c0_i32, %c0_i32_0 : i32, i32
  }
  func.func @transform_4(%arg0: i32) -> (i32, i32, i32) {
    %c0_i32 = arith.constant 0 : i32
    %c0_i32_0 = arith.constant 0 : i32
    %c0_i32_1 = arith.constant 0 : i32
    return %arg0, %c0_i32, %c0_i32_0 : i32, i32, i32
  }
}

</mosaic_0001>

<sc_bundles>
// kernel: kernel.6.cloned.1.call-start
scs
__scs_entry_jumppad:
0x0: {  	(pc) =	sbr.rel $0x88, $3  }
0x1: {  	(tag) =	ssettag $0x0;
	lr =	simm.s32 $0x1  }
0x2: {  	[smem:$0x3F9B] =	sst lr;
	_ =	strace $0xD0000000  }
0x3: {  	_ = 	snop  }
0x4: {  	_ = 	snop  }
0x5: {  	_ = 	snop  }
0x6: {  	_ = 	snop  }
0x7: {  	_ = 	snop  }
__scs_overlays_trampoline_lowered:
0x8: {  	[smem:$0x3FAA] =	sst s0  }
0x9: {  	[smem:$0x3FAB] =	sst s1  }
0xa: {  	[smem:$0x3FAC] =	sst s2  }
0xb: {  	[smem:$0x3FAD] =	sst s3  }
0xc: {  	[smem:$0x3FAE] =	sst s4  }
0xd: {  	[smem:$0x3FAF] =	sst s5  }
0xe: {  	[smem:$0x3FB0] =	sst s6  }
0xf: {  	[smem:$0x3FB1] =	sst s7  }
0x10: {  	[smem:$0x3FB2] =	sst s8  }
0x11: {  	[smem:$0x3FB3] =	sst s9;
	s0 =	simm.s32 @!p0 $0x0  }
0x12: {  	s1 =	sld [smem:$0x3F99];
	s0 =	simm.s32 @p0 $0x1  }
0x13: {  	[smem:$0x3FB4] =	sst s0;
	s0 =	simm.s32 @!p1 $0x0  }
0x14: {  	s2 =	sld [smem:$0x3F98];
	s0 =	simm.s32 @p1 $0x1  }
0x15: {  	[smem:$0x3FB5] =	sst s0;
	s0 =	simm.s32 @!p2 $0x0  }
0x16: {  	s3 =	sld [smem:$0x3FDB];
	s0 =	simm.s32 @p2 $0x1  }
0x17: {  	s4 =	simm.s32 $0x1BF5;
	[smem:$0x3FB7] =	sst s0  }
0x18: {  	s0 =	sld [smem:$0x3F9A];
	_ =	swait.ge [sflag:s4], $0x0  }
0x19: {  	s7 =	sld [smem:$0x3F9B]  }
0x1a: {  	s8 =	sadd.s32 $0xFFFFE003, lr  }
0x1b: {  	s9 =	sadd.s32 $0xFFFFFEF7, lr;
	s5 =	simm.s32 $0xFFFFFFFF;
	p2 =	slt.u32 s8, $0xFFFFF086  }
0x1c: {  	p1 =	slt.u32 s9, $0xF7A;
	s5 =	simm.s32 @!p2 $0x0  }
0x1d: {  	s5 =	simm.s32 @p1 $0x1;
	p0 =	seq.s32 s7, s2  }
0x1e: {  	s7 =	smul.u32 @!p0 $0xF7A, s2;
	p2 =	seq.s32 @!p0 s5, $0x0  }
0x1f: {  	s9 =	smul.u32 $0xF7A, s1;
	s8 =	simm.s32 @!p0 $0x1BF5;
	p2 =	por !p2, p0  }
0x20: {  	[sflag:s8] =	ssyncset.s32 @!p0 $0xFFFFF086;
	s6 =	sadd.s32 @!p0 s3, s7;
	s7 =	simm.s32 @!p0 $0x108  }
0x21: {  	s3 =	sadd.s32 s3, s9;
	s6 =	sadd.s32 @!p0 $0x88, s6;
	s7 =	simm.s32 @p2 $0x1082  }
0x22: {  	[simem:s7], [sflag:s8] =	dma.local @!p0 [hbm:s6], $0xF7A  }
0x23: {  	s9 =	sor.u32 $0xD0000000, s2;
	s6 =	simm.s32 $0x108;
	_ =	swait.ge @!p0 [sflag:s8], $0x0  }
0x24: {  	s3 =	sadd.s32 $0x88, s3;
	s6 =	simm.s32 @!p1 $0x1082;
	[sflag:s4] =	ssyncset.s32 $0xFFFFF086  }
0x25: {  	[simem:s6], [sflag:s4] =	dma.local [hbm:s3], $0xF7A  }
0x26: {  	[smem:$0x3F9B] =	sst s1;
	(tag) =	ssettag s2;
	_ =	strace s9  }
0x27: {  	s1 =	sld [smem:$0x3FAB]  }
0x28: {  	s2 =	sld [smem:$0x3FAC]  }
0x29: {  	s4 =	sld [smem:$0x3FAE]  }
0x2a: {  	p0 =	seq.s32 s5, $0x0;
	s5 =	sld [smem:$0x3FAF]  }
0x2b: {  	s6 =	sld [smem:$0x3FB0]  }
0x2c: {  	s7 =	sld [smem:$0x3FB1]  }
0x2d: {  	s3 =	simm.s32 $0x108;
	s8 =	sld [smem:$0x3FB2]  }
0x2e: {  	s3 =	simm.s32 @!p0 $0x1082;
	s9 =	sld [smem:$0x3FB3]  }
0x2f: {  	lr =	sadd.s32 s0, s3;
	s0 =	sld [smem:$0x3FAA]  }
0x30: {  	s3 =	sld [smem:$0x3FAD]  }
0x31: {  	[smem:$0x3FB6] =	sst s10  }
0x32: {  	s10 =	sld [smem:$0x3FB4];
	_ =	sdelay $0x3  }
0x33: {  	p0 =	seq.s32 s10, $0x1;
	s10 =	sld [smem:$0x3FB6];
	_ =	sdelay $0x3  }
0x34: {  	[smem:$0x3FB6] =	sst s10  }
0x35: {  	s10 =	sld [smem:$0x3FB5];
	_ =	sdelay $0x3  }
0x36: {  	p1 =	seq.s32 s10, $0x1;
	s10 =	sld [smem:$0x3FB6];
	_ =	sdelay $0x3  }
0x37: {  	[smem:$0x3FB6] =	sst s10  }
0x38: {  	s10 =	sld [smem:$0x3FB7]  }
0x39: {  	_ = 	snop;
	(pc) =	sbr.ind lr, $3  }
0x3a: {  	_ = 	snop  }
0x3b: {  	_ = 	snop  }
0x3c: {  	p2 =	seq.s32 s10, $0x1;
	s10 =	sld [smem:$0x3FB6]  }
0x3d: {  	_ =	shalt  }
0x3e: {  	_ =	shalt  }
0x3f: {  	_ =	shalt  }
0x40: {  	_ =	shalt  }
0x41: {  	_ =	shalt  }
0x42: {  	_ =	shalt  }
0x43: {  	_ =	shalt  }
0x44: {  	_ =	shalt  }
0x45: {  	_ =	shalt  }
0x46: {  	_ =	shalt  }
0x47: {  	_ =	shalt  }
0x48: {  	_ =	shalt  }
0x49: {  	_ =	shalt  }
0x4a: {  	_ =	shalt  }
0x4b: {  	_ =	shalt  }
0x4c: {  	_ =	shalt  }
0x4d: {  	_ =	shalt  }
0x4e: {  	_ =	shalt  }
0x4f: {  	_ =	shalt  }
0x50: {  	_ =	shalt  }
0x51: {  	_ =	shalt  }
0x52: {  	_ =	shalt  }
0x53: {  	_ =	shalt  }
0x54: {  	_ =	shalt  }
0x55: {  	_ =	shalt  }
0x56: {  	_ =	shalt  }
0x57: {  	_ =	shalt  }
0x58: {  	_ =	shalt  }
0x59: {  	_ =	shalt  }
0x5a: {  	_ =	shalt  }
0x5b: {  	_ =	shalt  }
0x5c: {  	_ =	shalt  }
0x5d: {  	_ =	shalt  }
0x5e: {  	_ =	shalt  }
0x5f: {  	_ =	shalt  }
0x60: {  	_ =	shalt  }
0x61: {  	_ =	shalt  }
0x62: {  	_ =	shalt  }
0x63: {  	_ =	shalt  }
0x64: {  	_ =	shalt  }
0x65: {  	_ =	shalt  }
0x66: {  	_ =	shalt  }
0x67: {  	_ =	shalt  }
0x68: {  	_ =	shalt  }
0x69: {  	_ =	shalt  }
0x6a: {  	_ =	shalt  }
0x6b: {  	_ =	shalt  }
0x6c: {  	_ =	shalt  }
0x6d: {  	_ =	shalt  }
0x6e: {  	_ =	shalt  }
0x6f: {  	_ =	shalt  }
0x70: {  	_ =	shalt  }
0x71: {  	_ =	shalt  }
0x72: {  	_ =	shalt  }
0x73: {  	_ =	shalt  }
0x74: {  	_ =	shalt  }
0x75: {  	_ =	shalt  }
0x76: {  	_ =	shalt  }
0x77: {  	_ =	shalt  }
0x78: {  	_ =	shalt  }
0x79: {  	_ =	shalt  }
0x7a: {  	_ =	shalt  }
0x7b: {  	_ =	shalt  }
0x7c: {  	_ =	shalt  }
0x7d: {  	_ =	shalt  }
0x7e: {  	_ =	shalt  }
0x7f: {  	_ =	shalt  }
0x80: {  	_ =	shalt  }
0x81: {  	_ =	shalt  }
0x82: {  	_ =	shalt  }
0x83: {  	_ =	shalt  }
0x84: {  	_ =	shalt  }
0x85: {  	_ =	shalt  }
0x86: {  	_ =	shalt  }
0x87: {  	_ =	shalt  }
.Lfunc_end0:
.L_simem_size_0:
called_computation_lowered:
.L_overlay_start_0:
0x88: {  	s2 =	sld [smem:$0x3FD9]  }
0x89: {  	s3 =	sld [smem:$0x3FFE];
	_ =	sdelay $0x1  }
0x8a: {  	s1 =	srdreg.scid  }
0x8b: {  	s0 =	sand.u32 $0x1, s1  }
0x8c: {  	s17 =	sshll.u32 s0, $0xA;
	s2 =	sadd.s32 s3, s2  }
0x8d: {  	s2 =	sadd.s32 s2, s17  }
0x8e: {  	[smem:$0x3FC2] =	sst s2  }
0x8f: {  	_ = 	snop  }
0x90: {  	s2 =	sld [smem:$0x3FD0];
	(tm) =	ssettm $0x1  }
0x91: {  	s18 =	sld [smem:$0x3FFB];
	_ =	sdelay $0x3  }
0x92: {  	_ =	strace s18  }
0x93: {  	s3 =	sld [smem:$0x3FFC];
	_ =	sdelay $0x3  }
0x94: {  	_ =	strace s3  }
0x95: {  	s3 =	sld [smem:$0x3FFD];
	_ =	sdelay $0x3  }
0x96: {  	_ =	strace s3  }
0x97: {  	_ =	strace $0x8FFFFFFF  }
0x98: {  	s19 =	sld [smem:$0x3FDB];
	_ =	sdelay $0x1  }
0x99: {  	s4 =	simm.s32 $_scs_section_size  }
0x9a: {  	s5 =	simm.s32 $_size__tile_overlayer_lowered;
	s6 =	simm.s32 $_tile_overlayer_lowered  }
0x9b: {  	s22 =	simm.s32 $0x1BFF;
	s21 =	sshll.u32 s6, $0x1;
	s3 =	sadd.s32 s4, s19  }
0x9c: {  	s7 =	simm.s32 $0x0;
	s20 =	sshll.u32 s5, $0x1;
	s5 =	sadd.s32 s21, s3  }
0x9d: {  	[timem:s7], [sflag:s22] =	dma.local [hbm:s5], s20  }
0x9e: {  	_ =	swait.ge [sflag:s22], s20  }
0x9f: {  	s4 =	ssub.s32 $0x0, s20;
	[sflag:s22] =	ssyncset.done $0x0  }
0xa0: {  	[sflag:s22] =	ssyncadd.s32 s4;
	_ =	sdelay $0x1  }
0xa1: {  	s23 =	simm.s32 $0x1B8B  }
0xa2: {  	_ =	swait.ge [sflag:s23], $0x1  }
0xa3: {  	[sflag:s23] =	ssyncset.done $0x0  }
0xa4: {  	s25 =	simm.s32 $0x1B8E;
	s24 =	sld [smem:$0x3FFE];
	[sflag:s23] =	ssyncadd.s32 $0xFFFFFFFF  }
0xa5: {  	s26 =	simm.s32 $execute0_lowered;
	[smem:$0x3FD2] =	sst s25  }
0xa6: {  	s5 =	sshll.u32 s26, $0x1;
	_ =	strace $0x80000046;
	[dreg:$0x1] =	wrdreg $0xFFFFFFFF  }
0xa7: {  	s28 =	simm.s32 $_size_execute0_lowered;
	s3 =	sadd.s32 s3, s5;
	[dreg:$0x0] =	wrdreg $0x0  }
0xa8: {  	s5 =	sshll.u32 s28, $0x1;
	[dreg:$0x2] =	wrdreg s3  }
0xa9: {  	[dreg:$0x3] =	wrdreg s5  }
0xaa: {  	[dreg:$0x4] =	wrdreg $0xC0  }
0xab: {  	_ =	task [dreg:s7], $0x5FFFF  }
0xac: {  	[dreg:$0x1] =	wrdreg $0xFFFFFFFF  }
0xad: {  	[dreg:$0x0] =	wrdreg $0x60  }
0xae: {  	[dreg:$0x2] =	wrdreg s24  }
0xaf: {  	[dreg:$0x3] =	wrdreg s2  }
0xb0: {  	[dreg:$0x4] =	wrdreg $0x9  }
0xb1: {  	_ =	task.clear_ibuf [dreg:s7], $0x5FFFF;
	_ =	strace $0x90000046  }
0xb2: {  	s29 =	simm.s32 $0x9;
	_ =	strace $0x80000048  }
0xb3: {  	_ =	swait.ge [sflag:s29], $0x1  }
0xb4: {  	[sflag:s29] =	ssyncadd.s32 $0xFFFFFFFF  }
0xb5: {  	_ =	strace $0x90000048  }
0xb6: {  	_ =	sfence  }
0xb7: {  	s30 =	sld [smem:$0x0];
	_ =	sdelay $0x2  }
0xb8: {  	s31 =	sshll.u32 s1, $0xD;
	s1 =	sshrl.u32 s1, $0x2  }
0xb9: {  	s3 =	sand.u32 $0x4000, s31;
	s1 =	sadd.s32 s1, s30  }
0xba: {  	s0 =	sor.u32 s3, s0;
	s1 =	sshll.u32 s1, $0x11  }
0xbb: {  	s0 =	sor.u32 s1, s0  }
0xbc: {  	s0 =	sadd.s32 $0x8F2B, s0  }
0xbd: {  	[sflag:s0] =	ssyncadd.remote.s32 $0x1  }
0xbe: {  	_ =	sfence.sel $0xFFFF  }
0xbf: {  	[dreg:$0x0] =	wrdreg $0xFFFFFFFF;
	(pc) =	sbr.abs _section_cstart, $3  }
0xc0: {  	[dreg:$0x1] =	wrdreg $0xFFFFFFFF  }
0xc1: {  	_ =	task.clear_ibuf [dreg:s7], $0x2FFFF;
	_ =	strace $0x9FFFFFFF  }
0xc2: {  	(tm) =	ssettm $0x7FFFFFFF  }
0xc3: {  	_ =	shalt  }
tec
execute0_lowered:
.L_overlay_start_1:
0x0: {  	(tag) =	ssettag $0x1  }
0x1: {  	s0 =	rddreg [dreg:$0x0]  }
0x2: {  	s2 =	rddreg [dreg:$0x1]  }
0x3: {  	s1 =	srdreg.scid;
	s4 =	stileid.u32  }
0x4: {  	s3 =	simm.s32 $0x0;
	s13 =	simm.s32 $0x100;
	s14 =	simm.s32 $0x1  }
0x5: {  	s15 =	simm.s32 $0xF0;
	s17 =	simm.s32 $0x3;
	s18 =	simm.s32 $0x2  }
0x6: {  	s19 =	simm.s32 $0x7A00;
	s20 =	simm.s32 $0xF200;
	s21 =	simm.s32 $0x4  }
0x7: {  	s22 =	simm.s32 $0x11A00;
	s23 =	simm.s32 $0x5;
	s24 =	simm.s32 $0x6  }
0x8: {  	s25 =	simm.s32 $0x0;
	s1 =	sand.u32 $0x1, s1;
	s4 =	sshll.u32 s4, $0x1  }
0x9: {  	[smem:$0x7FF] =	sst s3;
	s5 =	sor.u32 s1, s4;
	s1 =	ssub.s32 $0x2, s1  }
0xa: {  	s6 =	sadd.s32 $0x1000, s0;
	s7 =	smul.u32 $0x960, s5;
	s8 =	sshrl.u32 s1, $0x1  }
0xb: {  	s4 =	sadd.s32 $0x7D000, s0;
	s5 =	smul.u32 $0x1900, s5;
	s30 =	ssub.s32 s1, s8  }
0xc: {  	_ =	strace $0x80000047;
	s7 =	sadd.s32 s4, s7;
	s0 =	smax.u32 s30, $0x1  }
0xd: {  	s9 =	sor.u32 $0xA0, s5;
	s31 =	sadd.s32 $0x1E, s7;
	[dreg:$0x4] =	wrdreg s0  }
0xe: {  	s10 =	sor.u32 $0x50, s5;
	s11 =	sor.u32 $0xF0, s5;
	[dreg:$0x3] =	wrdreg s31  }
.LBB2_1:
0xf: {  	[tilespmem:s3], [sflag:$0x1] =	stream.linear.gather [hbm4b:s7+s3], $0xF0, $0x38;
	[tilespmem:$0x14200] =	vst v63  }
0x10: {  	s0 =	rddreg [dreg:$0x3]  }
0x11: {  	[tilespmem:s13], [sflag:$0x2] =	stream.linear.gather [hbm4b:s0+s3], $0xF0, $0x38;
	[tilespmem:$0x14200] =	vst v63  }
0x12: {  	_ =	swait.ge [sflag:s14], $0xF0  }
0x13: {  	[sflag:s14] =	ssyncset.done $0x0  }
0x14: {  	s31 =	simm.s32 $0x200;
	s26 =	simm.s32 $0x0;
	[sflag:s14] =	ssyncadd.s32 $0xFFFFFF10  }
0x15: {  	[tilespmem:s31], [sflag:$0x3] =	stream.indirect.gather [hbm4b:s6+s15], $0x80, s3, s15, $0xb8;
	[tilespmem:$0x14200] =	vst v63  }
.LBB2_2:
0x16: {  	p0 =	seq.s32 s26, $0x27  }
0x17: {  	s29 =	smul.u32 @!p0 $0xA0, s26;
	_ =	sdelay $0x1  }
0x18: {  	s0 =	sadd.s32 @!p0 s29, s9  }
0x19: {  	s0 =	smul.u32 @!p0 $0x3, s0  }
0x1a: {  	_ =	swait.ge [sflag:s17], $0x7800  }
0x1b: {  	[sflag:s17] =	ssyncset.done $0x0;
	s0 =	sshrl.u32 @!p0 s0, $0x3  }
0x1c: {  	s1 =	simm.s32 @!p0 $0x0;
	[sflag:s17] =	ssyncadd.s32 $0xFFFF8800;
	s0 =	sadd.s32 @!p0 s4, s0  }
0x1d: {  	[tilespmem:s1], [sflag:$0x1] =	stream.linear.gather @!p0 [hbm4b:s0+s1], $0xF0, $0x38;
	[tilespmem:$0x14200] =	vst v63  }
0x1e: {  	_ =	swait.ge [sflag:s18], $0xF0  }
0x1f: {  	p1 =	seq.s32 s26, $0x0;
	[sflag:s18] =	ssyncset.done $0x0  }
0x20: {  	s0 =	simm.s32 @!p1 $0x5;
	[sflag:s18] =	ssyncadd.s32 $0xFFFFFF10  }
0x21: {  	[tilespmem:s19], [sflag:$0x4] =	stream.indirect.gather [hbm4b:s6+s15], $0x80, s13, s15, $0xb8;
	[tilespmem:$0x14200] =	vst v63  }
0x22: {  	_ =	swait.ge @!p1 [sflag:s0], $0x2800  }
0x23: {  	[sflag:s0] =	ssyncset.done @!p1 $0x0  }
0x24: {  	s28 =	simm.s32 $0x380;
	[sflag:s0] =	ssyncadd.s32 @!p1 $0xFFFFD800  }
0x25: {  	v0 =	vld [tilespmem:s28+$0x0]  }
0x26: {  	v1 =	vld [tilespmem:s28+$0x80];
	_ =	sdelay $0x1  }
0x27: {  	v2 =	vld [tilespmem:s28+$0x100];
	_ =	sdelay $0x2  }
0x28: {  	v0 =	vadd.f32 v1, v0;
	_ =	sdelay $0x1  }
0x29: {  	v0 =	vadd.f32 v2, v0  }
0x2a: {  	s30 =	simm.s32 $0xF280  }
0x2b: {  	[tilespmem:s30+$0x0] =	vst v0  }
0x2c: {  	v0 =	vld [tilespmem:s28+$0x10]  }
0x2d: {  	v1 =	vld [tilespmem:s28+$0x90];
	_ =	sdelay $0x1  }
0x2e: {  	v2 =	vld [tilespmem:s28+$0x110];
	_ =	sdelay $0x1  }
0x2f: {  	v3 =	vld [tilespmem:s28+$0xFFFFFF00]  }
0x30: {  	v0 =	vadd.f32 v1, v0;
	v1 =	vld [tilespmem:s28+$0xFFFFFE80];
	_ =	sdelay $0x1  }
0x31: {  	v0 =	vadd.f32 v2, v0;
	v2 =	vld [tilespmem:s28+$0xFFFFFF80];
	_ =	sdelay $0x1  }
0x32: {  	[tilespmem:s30+$0x10] =	vst v0  }
0x33: {  	v0 =	vld [tilespmem:s28+$0x20];
	v1 =	vadd.f32 v3, v1  }
0x34: {  	v3 =	vld [tilespmem:s28+$0xA0]  }
0x35: {  	v1 =	vadd.f32 v2, v1  }
0x36: {  	v2 =	vld [tilespmem:s28+$0x120]  }
0x37: {  	[tilespmem:s30+$0xFFFFFF80] =	vst v1  }
0x38: {  	v1 =	vld [tilespmem:s28+$0xFFFFFE90]  }
0x39: {  	v0 =	vadd.f32 v3, v0;
	v3 =	vld [tilespmem:s28+$0xFFFFFF10];
	_ =	sdelay $0x1  }
0x3a: {  	v0 =	vadd.f32 v2, v0;
	v2 =	vld [tilespmem:s28+$0xFFFFFF90];
	_ =	sdelay $0x1  }
0x3b: {  	[tilespmem:s30+$0x20] =	vst v0  }
0x3c: {  	v0 =	vld [tilespmem:s28+$0x30];
	v1 =	vadd.f32 v3, v1  }
0x3d: {  	v3 =	vld [tilespmem:s28+$0xB0]  }
0x3e: {  	v1 =	vadd.f32 v2, v1  }
0x3f: {  	v2 =	vld [tilespmem:s28+$0x130]  }
0x40: {  	[tilespmem:s30+$0xFFFFFF90] =	vst v1  }
0x41: {  	v1 =	vld [tilespmem:s28+$0xFFFFFEA0]  }
0x42: {  	v0 =	vadd.f32 v3, v0;
	v3 =	vld [tilespmem:s28+$0xFFFFFF20];
	_ =	sdelay $0x1  }
0x43: {  	s31 =	simm.s32 $0x680;
	v0 =	vadd.f32 v2, v0;
	v2 =	vld [tilespmem:s28+$0xFFFFFFA0]  }
0x44: {  	s1 =	simm.s32 $0x980;
	v4 =	vld [tilespmem:s31+$0x0]  }
0x45: {  	v11 =	vld [tilespmem:s1+$0x0];
	[tilespmem:s30+$0x30] =	vst v0  }
0x46: {  	v0 =	vld [tilespmem:s28+$0x40];
	v1 =	vadd.f32 v3, v1  }
0x47: {  	v3 =	vld [tilespmem:s28+$0xC0]  }
0x48: {  	v1 =	vadd.f32 v2, v1;
	v2 =	vld [tilespmem:s31+$0x80]  }
0x49: {  	v5 =	vld [tilespmem:s28+$0x140]  }
0x4a: {  	[tilespmem:s30+$0xFFFFFFA0] =	vst v1;
	v1 =	vld [tilespmem:s31+$0x100]  }
0x4b: {  	v6 =	vld [tilespmem:s28+$0xFFFFFEB0]  }
0x4c: {  	v7 =	vld [tilespmem:s28+$0xFFFFFF30];
	v0 =	vadd.f32 v3, v0  }
0x4d: {  	v3 =	vld [tilespmem:s28+$0xFFFFFFB0];
	v2 =	vadd.f32 v2, v4  }
0x4e: {  	v4 =	vld [tilespmem:s31+$0xFFFFFF00];
	v0 =	vadd.f32 v5, v0  }
0x4f: {  	v5 =	vld [tilespmem:s31+$0xFFFFFE80];
	v1 =	vadd.f32 v1, v2  }
0x50: {  	s0 =	simm.s32 $0xF380;
	v2 =	vld [tilespmem:s31+$0xFFFFFF80];
	[tilespmem:s30+$0x40] =	vst v0  }
0x51: {  	v0 =	vadd.f32 v7, v6;
	v6 =	vld [tilespmem:s28+$0x50];
	[tilespmem:s0+$0x0] =	vst v1  }
0x52: {  	v1 =	vld [tilespmem:s31+$0x10]  }
0x53: {  	v0 =	vadd.f32 v3, v0;
	v3 =	vld [tilespmem:s31+$0x90]  }
0x54: {  	v7 =	vld [tilespmem:s28+$0xD0];
	v4 =	vadd.f32 v4, v5  }
0x55: {  	[tilespmem:s30+$0xFFFFFFB0] =	vst v0;
	v0 =	vld [tilespmem:s31+$0x110]  }
0x56: {  	v2 =	vadd.f32 v2, v4;
	v4 =	vld [tilespmem:s28+$0x150]  }
0x57: {  	v5 =	vld [tilespmem:s28+$0xFFFFFEC0]  }
0x58: {  	v8 =	vld [tilespmem:s28+$0xFFFFFF40];
	[tilespmem:s0+$0xFFFFFF80] =	vst v2;
	v1 =	vadd.f32 v3, v1  }
0x59: {  	v2 =	vld [tilespmem:s31+$0xFFFFFE90]  }
0x5a: {  	v3 =	vadd.f32 v7, v6;
	v6 =	vld [tilespmem:s31+$0xFFFFFF10];
	v0 =	vadd.f32 v0, v1  }
0x5b: {  	v1 =	vld [tilespmem:s28+$0xFFFFFFC0]  }
0x5c: {  	v3 =	vadd.f32 v4, v3;
	v4 =	vld [tilespmem:s31+$0xFFFFFF90];
	[tilespmem:s0+$0x10] =	vst v0  }
0x5d: {  	v0 =	vld [tilespmem:s31+$0x20]  }
0x5e: {  	v5 =	vadd.f32 v8, v5;
	[tilespmem:s30+$0x50] =	vst v3;
	v3 =	vld [tilespmem:s31+$0xA0]  }
0x5f: {  	v12 =	vld [tilespmem:s1+$0xFFFFFF00]  }
0x60: {  	v2 =	vadd.f32 v6, v2;
	v1 =	vadd.f32 v1, v5;
	v5 =	vld [tilespmem:s31+$0x120]  }
0x61: {  	v7 =	vld [tilespmem:s28+$0x60]  }
0x62: {  	v6 =	vld [tilespmem:s28+$0xE0];
	v2 =	vadd.f32 v4, v2  }
0x63: {  	[tilespmem:s30+$0xFFFFFFC0] =	vst v1;
	v1 =	vld [tilespmem:s28+$0x160];
	v0 =	vadd.f32 v3, v0  }
0x64: {  	[tilespmem:s0+$0xFFFFFF90] =	vst v2;
	v4 =	vld [tilespmem:s28+$0xFFFFFED0]  }
0x65: {  	v2 =	vld [tilespmem:s31+$0xFFFFFEA0];
	v0 =	vadd.f32 v5, v0  }
0x66: {  	v3 =	vld [tilespmem:s31+$0xFFFFFF20]  }
0x67: {  	v6 =	vadd.f32 v6, v7;
	v5 =	vld [tilespmem:s31+$0xFFFFFFA0];
	[tilespmem:s0+$0x20] =	vst v0  }
0x68: {  	v0 =	vld [tilespmem:s31+$0x30]  }
0x69: {  	v1 =	vadd.f32 v1, v6;
	v6 =	vld [tilespmem:s31+$0xB0]  }
0x6a: {  	v7 =	vld [tilespmem:s28+$0xFFFFFF50]  }
0x6b: {  	v2 =	vadd.f32 v3, v2;
	[tilespmem:s30+$0x60] =	vst v1;
	v1 =	vld [tilespmem:s31+$0x130]  }
0x6c: {  	v3 =	vld [tilespmem:s28+$0xFFFFFFD0]  }
0x6d: {  	v8 =	vld [tilespmem:s28+$0x70];
	v2 =	vadd.f32 v5, v2  }
0x6e: {  	v5 =	vld [tilespmem:s28+$0xF0];
	v0 =	vadd.f32 v6, v0  }
0x6f: {  	v4 =	vadd.f32 v7, v4;
	v7 =	vld [tilespmem:s28+$0x170];
	[tilespmem:s0+$0xFFFFFFA0] =	vst v2  }
0x70: {  	v2 =	vld [tilespmem:s31+$0xFFFFFEB0];
	v0 =	vadd.f32 v1, v0  }
0x71: {  	v3 =	vadd.f32 v3, v4;
	v4 =	vld [tilespmem:s31+$0xFFFFFF30]  }
0x72: {  	v1 =	vld [tilespmem:s31+$0xFFFFFFB0];
	[tilespmem:s0+$0x30] =	vst v0  }
0x73: {  	[tilespmem:s30+$0xFFFFFFD0] =	vst v3;
	v3 =	vld [tilespmem:s31+$0x40]  }
0x74: {  	v6 =	vld [tilespmem:s31+$0xC0]  }
0x75: {  	v9 =	vld [tilespmem:s28+$0xFFFFFF60]  }
0x76: {  	v10 =	vld [tilespmem:s31+$0x140]  }
0x77: {  	v2 =	vadd.f32 v4, v2;
	v4 =	vld [tilespmem:s1+$0x80]  }
0x78: {  	v54 =	vld [tilespmem:s28+$0xFFFFFFE0]  }
0x79: {  	v1 =	vadd.f32 v1, v2;
	v2 =	vld [tilespmem:s1+$0x100];
	v3 =	vadd.f32 v6, v3  }
0x7a: {  	v0 =	vld [tilespmem:s28+$0xFFFFFEE0]  }
0x7b: {  	v6 =	vld [tilespmem:s1+$0xFFFFFE80];
	v3 =	vadd.f32 v10, v3  }
0x7c: {  	[tilespmem:s0+$0xFFFFFFB0] =	vst v1;
	v1 =	vld [tilespmem:s1+$0xFFFFFF80];
	v4 =	vadd.f32 v4, v11  }
0x7d: {  	v50 =	vld [tilespmem:s31+$0xFFFFFEC0];
	[tilespmem:s0+$0x40] =	vst v3  }
0x7e: {  	v2 =	vadd.f32 v2, v4;
	v3 =	vld [tilespmem:s31+$0x50]  }
0x7f: {  	s16 =	simm.s32 $0xF480;
	v4 =	vld [tilespmem:s31+$0xD0]  }
0x80: {  	[tilespmem:s16+$0x0] =	vst v2;
	v6 =	vadd.f32 v12, v6;
	v2 =	vld [tilespmem:s31+$0x150]  }
0x81: {  	v52 =	vld [tilespmem:s1+$0x10]  }
0x82: {  	v1 =	vadd.f32 v1, v6;
	v6 =	vld [tilespmem:s1+$0x90]  }
0x83: {  	v51 =	vld [tilespmem:s31+$0xFFFFFF40]  }
0x84: {  	[tilespmem:s16+$0xFFFFFF80] =	vst v1;
	v1 =	vld [tilespmem:s1+$0x110];
	v3 =	vadd.f32 v4, v3  }
0x85: {  	v4 =	vld [tilespmem:s1+$0xFFFFFE90]  }
0x86: {  	v2 =	vadd.f32 v2, v3;
	v3 =	vld [tilespmem:s1+$0xFFFFFF10]  }
0x87: {  	v13 =	vld [tilespmem:s31+$0xFFFFFFC0];
	v6 =	vadd.f32 v6, v52  }
0x88: {  	v53 =	vld [tilespmem:s1+$0xFFFFFF90];
	[tilespmem:s0+$0x50] =	vst v2  }
0x89: {  	v0 =	vadd.f32 v9, v0;
	v1 =	vadd.f32 v1, v6;
	v2 =	vld [tilespmem:s31+$0x60]  }
0x8a: {  	v6 =	vld [tilespmem:s31+$0xE0]  }
0x8b: {  	v0 =	vadd.f32 v54, v0;
	[tilespmem:s16+$0x10] =	vst v1;
	v1 =	vld [tilespmem:s31+$0x160];
	v3 =	vadd.f32 v3, v4  }
0x8c: {  	v4 =	vld [tilespmem:s1+$0x20]  }
0x8d: {  	[tilespmem:s30+$0xFFFFFFE0] =	vst v0;
	v10 =	vadd.f32 v51, v50;
	v55 =	vld [tilespmem:s1+$0xA0];
	v3 =	vadd.f32 v53, v3  }
0x8e: {  	v63 =	vld [tilespmem:s28+$0xFFFFFEF0]  }
0x8f: {  	v10 =	vadd.f32 v13, v10;
	v2 =	vadd.f32 v6, v2;
	[tilespmem:s16+$0xFFFFFF90] =	vst v3;
	v3 =	vld [tilespmem:s1+$0x120]  }
0x90: {  	v6 =	vld [tilespmem:s1+$0xFFFFFEA0]  }
0x91: {  	[tilespmem:s0+$0xFFFFFFC0] =	vst v10;
	v1 =	vadd.f32 v1, v2;
	v2 =	vld [tilespmem:s1+$0xFFFFFF20]  }
0x92: {  	v56 =	vld [tilespmem:s31+$0xFFFFFED0];
	v4 =	vadd.f32 v55, v4  }
0x93: {  	v57 =	vld [tilespmem:s1+$0xFFFFFFA0]  }
0x94: {  	v58 =	vld [tilespmem:s31+$0xFFFFFF50];
	v3 =	vadd.f32 v3, v4  }
0x95: {  	v60 =	vld [tilespmem:s31+$0xFFFFFFD0];
	[tilespmem:s0+$0x60] =	vst v1  }
0x96: {  	v1 =	vld [tilespmem:s31+$0x70];
	v2 =	vadd.f32 v2, v6;
	[tilespmem:s16+$0x20] =	vst v3  }
0x97: {  	v6 =	vld [tilespmem:s1+$0x30]  }
0x98: {  	v2 =	vadd.f32 v57, v2;
	v59 =	vld [tilespmem:s1+$0xB0]  }
0x99: {  	v4 =	vld [tilespmem:s31+$0xF0]  }
0x9a: {  	[tilespmem:s16+$0xFFFFFFA0] =	vst v2;
	v2 =	vld [tilespmem:s1+$0x130]  }
0x9b: {  	v10 =	vadd.f32 v58, v56;
	v61 =	vld [tilespmem:s1+$0xFFFFFEB0]  }
0x9c: {  	v62 =	vld [tilespmem:s1+$0xFFFFFF30]  }
0x9d: {  	v9 =	vadd.f32 v60, v10;
	v3 =	vld [tilespmem:s31+$0x170];
	v0 =	vadd.f32 v59, v6  }
0x9e: {  	v6 =	vld [tilespmem:s1+$0xFFFFFFB0]  }
0x9f: {  	v5 =	vadd.f32 v5, v8;
	v8 =	vld [tilespmem:s28+$0xFFFFFF70];
	[tilespmem:s0+$0xFFFFFFD0] =	vst v9;
	v2 =	vadd.f32 v2, v0  }
0xa0: {  	v4 =	vadd.f32 v4, v1;
	v1 =	vld [tilespmem:s31+$0xFFFFFEE0]  }
0xa1: {  	v5 =	vadd.f32 v7, v5;
	v0 =	vld [tilespmem:s28+$0xFFFFFFF0];
	v7 =	vadd.f32 v62, v61;
	[tilespmem:s16+$0x30] =	vst v2  }
0xa2: {  	v2 =	vadd.f32 v3, v4;
	v4 =	vld [tilespmem:s1+$0x40]  }
0xa3: {  	[tilespmem:s30+$0x70] =	vst v5;
	v6 =	vadd.f32 v6, v7;
	v5 =	vld [tilespmem:s1+$0xC0]  }
0xa4: {  	s29 =	simm.s32 @p0 $0x1860;
	v3 =	vld [tilespmem:s31+$0xFFFFFF60];
	[tilespmem:s0+$0x70] =	vst v2;
	v2 =	vadd.f32 v8, v63  }
0xa5: {  	s8 =	simm.s32 $0x4;
	s12 =	simm.s32 $0xC80;
	s28 =	sadd.s32 s29, s10;
	[tilespmem:s16+$0xFFFFFFB0] =	vst v6;
	v6 =	vld [tilespmem:s1+$0x140]  }
.LBB2_3:
0xa6: {  	v7 =	vld [tilespmem:s12+$0x0];
	v0 =	vadd.f32 v0, v2  }
0xa7: {  	v2 =	vld [tilespmem:s12+$0x80]  }
0xa8: {  	v8 =	vld [tilespmem:s12+$0xFFFFFF00];
	v4 =	vadd.f32 v5, v4;
	[tilespmem:s30+$0xFFFFFFF0] =	vst v0;
	s30 =	smov.u32 s0;
	s0 =	smov.u32 s16  }
0xa9: {  	v0 =	vld [tilespmem:s12+$0x100];
	v1 =	vadd.f32 v3, v1  }
0xaa: {  	v3 =	vld [tilespmem:s12+$0xFFFFFE80];
	v4 =	vadd.f32 v6, v4  }
0xab: {  	v5 =	vld [tilespmem:s12+$0xFFFFFF80]  }
0xac: {  	v2 =	vadd.f32 v2, v7;
	v6 =	vld [tilespmem:s1+$0xFFFFFEC0];
	[tilespmem:s16+$0x40] =	vst v4  }
0xad: {  	v4 =	vld [tilespmem:s1+$0x50]  }
0xae: {  	s8 =	sadd.s32 $0x2, s8;
	v0 =	vadd.f32 v0, v2;
	v2 =	vld [tilespmem:s1+$0xD0]  }
0xaf: {  	p1 =	slt.u32 s8, $0x4E;
	s16 =	sadd.s32 $0x100, s16;
	v3 =	vadd.f32 v8, v3;
	v7 =	vld [tilespmem:s1+$0xFFFFFF40]  }
0xb0: {  	[tilespmem:s16+$0x0] =	vst v0;
	v0 =	vld [tilespmem:s1+$0x150]  }
0xb1: {  	v3 =	vadd.f32 v5, v3;
	v5 =	vld [tilespmem:s12+$0x10]  }
0xb2: {  	v8 =	vld [tilespmem:s12+$0x90]  }
0xb3: {  	[tilespmem:s16+$0xFFFFFF80] =	vst v3;
	v3 =	vld [tilespmem:s1+$0xFFFFFFC0];
	v2 =	vadd.f32 v2, v4  }
0xb4: {  	v4 =	vld [tilespmem:s12+$0x110];
	v6 =	vadd.f32 v7, v6  }
0xb5: {  	v7 =	vld [tilespmem:s12+$0xFFFFFE90];
	v0 =	vadd.f32 v0, v2  }
0xb6: {  	v2 =	vld [tilespmem:s12+$0xFFFFFF10]  }
0xb7: {  	v9 =	vld [tilespmem:s12+$0xFFFFFF90];
	v5 =	vadd.f32 v8, v5;
	[tilespmem:s0+$0x50] =	vst v0  }
0xb8: {  	v0 =	vadd.f32 v3, v6;
	v3 =	vld [tilespmem:s1+$0x60]  }
0xb9: {  	v4 =	vadd.f32 v4, v5;
	v5 =	vld [tilespmem:s1+$0xE0]  }
0xba: {  	[tilespmem:s0+$0xFFFFFFC0] =	vst v0;
	v0 =	vld [tilespmem:s31+$0xFFFFFFE0]  }
0xbb: {  	v2 =	vadd.f32 v2, v7;
	[tilespmem:s16+$0x10] =	vst v4;
	v4 =	vld [tilespmem:s1+$0x160]  }
0xbc: {  	v6 =	vld [tilespmem:s12+$0x20]  }
0xbd: {  	v2 =	vadd.f32 v9, v2;
	v7 =	vld [tilespmem:s12+$0xA0]  }
0xbe: {  	v8 =	vld [tilespmem:s1+$0xFFFFFED0];
	v3 =	vadd.f32 v5, v3  }
0xbf: {  	[tilespmem:s16+$0xFFFFFF90] =	vst v2;
	v2 =	vld [tilespmem:s12+$0x120];
	v0 =	vadd.f32 v0, v1  }
0xc0: {  	v1 =	vld [tilespmem:s12+$0xFFFFFEA0];
	v3 =	vadd.f32 v4, v3  }
0xc1: {  	v4 =	vld [tilespmem:s12+$0xFFFFFF20];
	[tilespmem:s30+$0xFFFFFFE0] =	vst v0  }
0xc2: {  	v0 =	vld [tilespmem:s12+$0xFFFFFFA0];
	v5 =	vadd.f32 v7, v6;
	[tilespmem:s0+$0x60] =	vst v3  }
0xc3: {  	v3 =	vld [tilespmem:s1+$0x70]  }
0xc4: {  	v2 =	vadd.f32 v2, v5;
	v5 =	vld [tilespmem:s1+$0xF0]  }
0xc5: {  	v6 =	vld [tilespmem:s1+$0xFFFFFF50]  }
0xc6: {  	v1 =	vadd.f32 v4, v1;
	[tilespmem:s16+$0x20] =	vst v2;
	v2 =	vld [tilespmem:s1+$0x170]  }
0xc7: {  	v4 =	vld [tilespmem:s12+$0x30]  }
0xc8: {  	v0 =	vadd.f32 v0, v1;
	v1 =	vld [tilespmem:s12+$0xB0]  }
0xc9: {  	v7 =	vld [tilespmem:s1+$0xFFFFFFD0];
	v3 =	vadd.f32 v5, v3  }
0xca: {  	[tilespmem:s16+$0xFFFFFFA0] =	vst v0;
	v0 =	vld [tilespmem:s12+$0x130];
	v5 =	vadd.f32 v6, v8  }
0xcb: {  	v6 =	vld [tilespmem:s12+$0xFFFFFEB0];
	v2 =	vadd.f32 v2, v3  }
0xcc: {  	v3 =	vld [tilespmem:s12+$0xFFFFFF30]  }
0xcd: {  	v8 =	vld [tilespmem:s12+$0xFFFFFFB0];
	v1 =	vadd.f32 v1, v4;
	[tilespmem:s0+$0x70] =	vst v2  }
0xce: {  	v2 =	vadd.f32 v7, v5;
	v7 =	vld [tilespmem:s31+$0xFFFFFEF0]  }
0xcf: {  	v1 =	vadd.f32 v0, v1;
	v9 =	vld [tilespmem:s31+$0xFFFFFF70]  }
0xd0: {  	[tilespmem:s0+$0xFFFFFFD0] =	vst v2;
	v0 =	vld [tilespmem:s31+$0xFFFFFFF0];
	s31 =	smov.u32 s1;
	s1 =	smov.u32 s12  }
.Ltmp0:
0xd1: {  	v2 =	vadd.f32 v3, v6;
	[tilespmem:s16+$0x30] =	vst v1;
	v1 =	vld [tilespmem:s31+$0xFFFFFEE0];
	(pc) =	sbr.rel @p1 .LBB2_3-.Ltmp0, $4  }
0xd2: {  	v4 =	vld [tilespmem:s12+$0x40]  }
0xd3: {  	v6 =	vadd.f32 v8, v2;
	v5 =	vld [tilespmem:s12+$0xC0]  }
0xd4: {  	v3 =	vld [tilespmem:s31+$0xFFFFFF60];
	v2 =	vadd.f32 v9, v7  }
0xd5: {  	s12 =	sadd.s32 $0x300, s12;
	[tilespmem:s16+$0xFFFFFFB0] =	vst v6;
	v6 =	vld [tilespmem:s1+$0x140]  }
0xd6: {  	_ = 	snop  }
0xd7: {  	v7 =	vld [tilespmem:s1+$0xFFFFFEC0]  }
0xd8: {  	v4 =	vadd.f32 v5, v4;
	v5 =	vld [tilespmem:s1+$0xFFFFFF40];
	_ =	sdelay $0x1  }
0xd9: {  	v4 =	vadd.f32 v6, v4;
	v6 =	vld [tilespmem:s1+$0xFFFFFFC0];
	_ =	sdelay $0x1  }
0xda: {  	[tilespmem:s16+$0x40] =	vst v4  }
0xdb: {  	v4 =	vld [tilespmem:s1+$0x50];
	v5 =	vadd.f32 v5, v7  }
0xdc: {  	v7 =	vld [tilespmem:s1+$0xD0]  }
0xdd: {  	v5 =	vadd.f32 v6, v5  }
0xde: {  	v6 =	vld [tilespmem:s1+$0x150]  }
0xdf: {  	[tilespmem:s16+$0xFFFFFFC0] =	vst v5  }
0xe0: {  	v5 =	vld [tilespmem:s1+$0xFFFFFED0]  }
0xe1: {  	v4 =	vadd.f32 v7, v4;
	v7 =	vld [tilespmem:s1+$0xFFFFFF50];
	_ =	sdelay $0x1  }
0xe2: {  	v4 =	vadd.f32 v6, v4;
	v6 =	vld [tilespmem:s1+$0xFFFFFFD0];
	_ =	sdelay $0x1  }
0xe3: {  	[tilespmem:s16+$0x50] =	vst v4  }
0xe4: {  	v4 =	vld [tilespmem:s1+$0x60];
	v5 =	vadd.f32 v7, v5  }
0xe5: {  	v7 =	vld [tilespmem:s1+$0xE0]  }
0xe6: {  	v5 =	vadd.f32 v6, v5  }
0xe7: {  	v6 =	vld [tilespmem:s1+$0x160]  }
0xe8: {  	v8 =	vld [tilespmem:s31+$0xFFFFFFE0];
	[tilespmem:s16+$0xFFFFFFD0] =	vst v5  }
0xe9: {  	v5 =	vld [tilespmem:s1+$0xFFFFFEE0]  }
0xea: {  	v4 =	vadd.f32 v7, v4;
	v7 =	vld [tilespmem:s1+$0xFFFFFF60];
	_ =	sdelay $0x1  }
0xeb: {  	v4 =	vadd.f32 v6, v4;
	v6 =	vld [tilespmem:s1+$0xFFFFFFE0]  }
0xec: {  	v1 =	vadd.f32 v3, v1  }
0xed: {  	[tilespmem:s16+$0x60] =	vst v4  }
0xee: {  	v1 =	vadd.f32 v8, v1;
	v3 =	vld [tilespmem:s1+$0x70];
	v4 =	vadd.f32 v7, v5  }
0xef: {  	v5 =	vld [tilespmem:s1+$0xF0]  }
0xf0: {  	[tilespmem:s0+$0xFFFFFFE0] =	vst v1;
	v1 =	vld [tilespmem:s1+$0x170];
	v4 =	vadd.f32 v6, v4  }
0xf1: {  	v7 =	vld [tilespmem:s31+$0xFFFFFF70]  }
0xf2: {  	v6 =	vld [tilespmem:s31+$0xFFFFFEF0];
	[tilespmem:s16+$0xFFFFFFE0] =	vst v4  }
0xf3: {  	v4 =	vld [tilespmem:s1+$0xFFFFFEF0]  }
0xf4: {  	v8 =	vld [tilespmem:s1+$0xFFFFFF70]  }
0xf5: {  	v9 =	vld [tilespmem:s31+$0xFFFFFFF0]  }
0xf6: {  	v10 =	vld [tilespmem:s1+$0xFFFFFFF0]  }
0xf7: {  	v3 =	vadd.f32 v5, v3  }
0xf8: {  	v0 =	vadd.f32 v0, v2;
	v2 =	vadd.f32 v7, v6  }
0xf9: {  	v1 =	vadd.f32 v1, v3;
	v3 =	vadd.f32 v8, v4  }
0xfa: {  	[tilespmem:s30+$0xFFFFFFF0] =	vst v0;
	v0 =	vadd.f32 v9, v2  }
0xfb: {  	s31 =	sadd.s32 s5, s29;
	[tilespmem:s16+$0x70] =	vst v1;
	v1 =	vadd.f32 v10, v3  }
0xfc: {  	s8 =	sshll.u32 s31, $0x4;
	[tilespmem:s0+$0xFFFFFFF0] =	vst v0  }
0xfd: {  	s0 =	sadd.s32 s2, s8;
	[tilespmem:s16+$0xFFFFFFF0] =	vst v1  }
0xfe: {  	[hbm4b:s0+s3] =	stream.linear.scatter [tilespmem:s20], [sflag:$0x5], $0x2800, $0x38;
	[tilespmem:$0x14200] =	vst v63  }
0xff: {  	s0 =	sadd.s32 @!p0 s29, s11  }
0x100: {  	s0 =	smul.u32 @!p0 $0x3, s0  }
0x101: {  	_ =	swait.ge [sflag:s21], $0x7800  }
0x102: {  	s1 =	simm.s32 @!p0 $0x0;
	[sflag:s21] =	ssyncset.done $0x0;
	s0 =	sshrl.u32 @!p0 s0, $0x3  }
0x103: {  	s8 =	simm.s32 @!p0 $0x100;
	[sflag:s21] =	ssyncadd.s32 $0xFFFF8800;
	s0 =	sadd.s32 @!p0 s4, s0  }
0x104: {  	[tilespmem:s8], [sflag:$0x2] =	stream.linear.gather @!p0 [hbm4b:s0+s1], $0xF0, $0x38;
	[tilespmem:$0x14200] =	vst v63  }
0x105: {  	s0 =	simm.s32 @!p0 $0x1  }
0x106: {  	_ =	swait.ge @!p0 [sflag:s0], $0xF0  }
0x107: {  	p1 =	seq.s32 @!p0 s26, $0x0;
	[sflag:s0] =	ssyncset.done @!p0 $0x0  }
0x108: {  	s8 =	simm.s32 @!p0 $0x200;
	[sflag:s0] =	ssyncadd.s32 @!p0 $0xFFFFFF10;
	s0 =	simm.s32 @!p0 $0xF0  }
0x109: {  	[tilespmem:s8], [sflag:$0x3] =	stream.indirect.gather @!p0 [hbm4b:s6+s0], $0x80, s1, s0, $0xb8;
	[tilespmem:$0x14200] =	vst v63  }
0x10a: {  	p0 =	por p0, !p1  }
0x10b: {  	_ =	swait.ge @p0 [sflag:s24], $0x2800  }
0x10c: {  	[sflag:s24] =	ssyncset.done @p0 $0x0  }
0x10d: {  	s12 =	simm.s32 $0x7B80;
	[sflag:s24] =	ssyncadd.s32 @p0 $0xFFFFD800  }
0x10e: {  	v0 =	vld [tilespmem:s12+$0x0]  }
0x10f: {  	v1 =	vld [tilespmem:s12+$0x80];
	_ =	sdelay $0x1  }
0x110: {  	v2 =	vld [tilespmem:s12+$0x100];
	_ =	sdelay $0x2  }
0x111: {  	v0 =	vadd.f32 v1, v0;
	_ =	sdelay $0x1  }
0x112: {  	v0 =	vadd.f32 v2, v0  }
0x113: {  	s29 =	simm.s32 $0x11A80  }
0x114: {  	[tilespmem:s29+$0x0] =	vst v0  }
0x115: {  	v0 =	vld [tilespmem:s12+$0x10]  }
0x116: {  	v1 =	vld [tilespmem:s12+$0x90];
	_ =	sdelay $0x1  }
0x117: {  	v2 =	vld [tilespmem:s12+$0x110];
	_ =	sdelay $0x1  }
0x118: {  	v3 =	vld [tilespmem:s12+$0xFFFFFF00]  }
0x119: {  	v0 =	vadd.f32 v1, v0;
	v1 =	vld [tilespmem:s12+$0xFFFFFE80];
	_ =	sdelay $0x1  }
0x11a: {  	v0 =	vadd.f32 v2, v0;
	v2 =	vld [tilespmem:s12+$0xFFFFFF80];
	_ =	sdelay $0x1  }
0x11b: {  	[tilespmem:s29+$0x10] =	vst v0  }
0x11c: {  	v0 =	vld [tilespmem:s12+$0x20];
	v1 =	vadd.f32 v3, v1  }
0x11d: {  	v3 =	vld [tilespmem:s12+$0xA0]  }
0x11e: {  	v1 =	vadd.f32 v2, v1  }
0x11f: {  	v2 =	vld [tilespmem:s12+$0x120]  }
0x120: {  	[tilespmem:s29+$0xFFFFFF80] =	vst v1  }
0x121: {  	v1 =	vld [tilespmem:s12+$0xFFFFFE90]  }
0x122: {  	v0 =	vadd.f32 v3, v0;
	v3 =	vld [tilespmem:s12+$0xFFFFFF10];
	_ =	sdelay $0x1  }
0x123: {  	v0 =	vadd.f32 v2, v0;
	v2 =	vld [tilespmem:s12+$0xFFFFFF90];
	_ =	sdelay $0x1  }
0x124: {  	[tilespmem:s29+$0x20] =	vst v0  }
0x125: {  	v0 =	vld [tilespmem:s12+$0x30];
	v1 =	vadd.f32 v3, v1  }
0x126: {  	v3 =	vld [tilespmem:s12+$0xB0]  }
0x127: {  	v1 =	vadd.f32 v2, v1  }
0x128: {  	v2 =	vld [tilespmem:s12+$0x130]  }
0x129: {  	[tilespmem:s29+$0xFFFFFF90] =	vst v1  }
0x12a: {  	v1 =	vld [tilespmem:s12+$0xFFFFFEA0]  }
0x12b: {  	v0 =	vadd.f32 v3, v0;
	v3 =	vld [tilespmem:s12+$0xFFFFFF20];
	_ =	sdelay $0x1  }
0x12c: {  	s30 =	simm.s32 $0x7E80;
	v0 =	vadd.f32 v2, v0;
	v2 =	vld [tilespmem:s12+$0xFFFFFFA0]  }
0x12d: {  	s1 =	simm.s32 $0x8180;
	v4 =	vld [tilespmem:s30+$0x0]  }
0x12e: {  	v11 =	vld [tilespmem:s1+$0x0];
	[tilespmem:s29+$0x30] =	vst v0  }
0x12f: {  	v0 =	vld [tilespmem:s12+$0x40];
	v1 =	vadd.f32 v3, v1  }
0x130: {  	v3 =	vld [tilespmem:s12+$0xC0]  }
0x131: {  	v1 =	vadd.f32 v2, v1;
	v2 =	vld [tilespmem:s30+$0x80]  }
0x132: {  	v5 =	vld [tilespmem:s12+$0x140]  }
0x133: {  	[tilespmem:s29+$0xFFFFFFA0] =	vst v1;
	v1 =	vld [tilespmem:s30+$0x100]  }
0x134: {  	v6 =	vld [tilespmem:s12+$0xFFFFFEB0]  }
0x135: {  	v7 =	vld [tilespmem:s12+$0xFFFFFF30];
	v0 =	vadd.f32 v3, v0  }
0x136: {  	v3 =	vld [tilespmem:s12+$0xFFFFFFB0];
	v2 =	vadd.f32 v2, v4  }
0x137: {  	v4 =	vld [tilespmem:s30+$0xFFFFFF00];
	v0 =	vadd.f32 v5, v0  }
0x138: {  	v5 =	vld [tilespmem:s30+$0xFFFFFE80];
	v1 =	vadd.f32 v1, v2  }
0x139: {  	s0 =	simm.s32 $0x11B80;
	v2 =	vld [tilespmem:s30+$0xFFFFFF80];
	[tilespmem:s29+$0x40] =	vst v0  }
0x13a: {  	v0 =	vadd.f32 v7, v6;
	v6 =	vld [tilespmem:s12+$0x50];
	[tilespmem:s0+$0x0] =	vst v1  }
0x13b: {  	v1 =	vld [tilespmem:s30+$0x10]  }
0x13c: {  	v0 =	vadd.f32 v3, v0;
	v3 =	vld [tilespmem:s30+$0x90]  }
0x13d: {  	v7 =	vld [tilespmem:s12+$0xD0];
	v4 =	vadd.f32 v4, v5  }
0x13e: {  	[tilespmem:s29+$0xFFFFFFB0] =	vst v0;
	v0 =	vld [tilespmem:s30+$0x110]  }
0x13f: {  	v2 =	vadd.f32 v2, v4;
	v4 =	vld [tilespmem:s12+$0x150]  }
0x140: {  	v5 =	vld [tilespmem:s12+$0xFFFFFEC0]  }
0x141: {  	v8 =	vld [tilespmem:s12+$0xFFFFFF40];
	[tilespmem:s0+$0xFFFFFF80] =	vst v2;
	v1 =	vadd.f32 v3, v1  }
0x142: {  	v2 =	vld [tilespmem:s30+$0xFFFFFE90]  }
0x143: {  	v3 =	vadd.f32 v7, v6;
	v6 =	vld [tilespmem:s30+$0xFFFFFF10];
	v0 =	vadd.f32 v0, v1  }
0x144: {  	v1 =	vld [tilespmem:s12+$0xFFFFFFC0]  }
0x145: {  	v3 =	vadd.f32 v4, v3;
	v4 =	vld [tilespmem:s30+$0xFFFFFF90];
	[tilespmem:s0+$0x10] =	vst v0  }
0x146: {  	v0 =	vld [tilespmem:s30+$0x20]  }
0x147: {  	v5 =	vadd.f32 v8, v5;
	[tilespmem:s29+$0x50] =	vst v3;
	v3 =	vld [tilespmem:s30+$0xA0]  }
0x148: {  	v12 =	vld [tilespmem:s1+$0xFFFFFF00]  }
0x149: {  	v2 =	vadd.f32 v6, v2;
	v1 =	vadd.f32 v1, v5;
	v5 =	vld [tilespmem:s30+$0x120]  }
0x14a: {  	v7 =	vld [tilespmem:s12+$0x60]  }
0x14b: {  	v6 =	vld [tilespmem:s12+$0xE0];
	v2 =	vadd.f32 v4, v2  }
0x14c: {  	[tilespmem:s29+$0xFFFFFFC0] =	vst v1;
	v1 =	vld [tilespmem:s12+$0x160];
	v0 =	vadd.f32 v3, v0  }
0x14d: {  	[tilespmem:s0+$0xFFFFFF90] =	vst v2;
	v4 =	vld [tilespmem:s12+$0xFFFFFED0]  }
0x14e: {  	v2 =	vld [tilespmem:s30+$0xFFFFFEA0];
	v0 =	vadd.f32 v5, v0  }
0x14f: {  	v3 =	vld [tilespmem:s30+$0xFFFFFF20]  }
0x150: {  	v6 =	vadd.f32 v6, v7;
	v5 =	vld [tilespmem:s30+$0xFFFFFFA0];
	[tilespmem:s0+$0x20] =	vst v0  }
0x151: {  	v0 =	vld [tilespmem:s30+$0x30]  }
0x152: {  	v1 =	vadd.f32 v1, v6;
	v6 =	vld [tilespmem:s30+$0xB0]  }
0x153: {  	v7 =	vld [tilespmem:s12+$0xFFFFFF50]  }
0x154: {  	v2 =	vadd.f32 v3, v2;
	[tilespmem:s29+$0x60] =	vst v1;
	v1 =	vld [tilespmem:s30+$0x130]  }
0x155: {  	v3 =	vld [tilespmem:s12+$0xFFFFFFD0]  }
0x156: {  	v8 =	vld [tilespmem:s12+$0x70];
	v2 =	vadd.f32 v5, v2  }
0x157: {  	v5 =	vld [tilespmem:s12+$0xF0];
	v0 =	vadd.f32 v6, v0  }
0x158: {  	v4 =	vadd.f32 v7, v4;
	v7 =	vld [tilespmem:s12+$0x170];
	[tilespmem:s0+$0xFFFFFFA0] =	vst v2  }
0x159: {  	v2 =	vld [tilespmem:s30+$0xFFFFFEB0];
	v0 =	vadd.f32 v1, v0  }
0x15a: {  	v3 =	vadd.f32 v3, v4;
	v4 =	vld [tilespmem:s30+$0xFFFFFF30]  }
0x15b: {  	v1 =	vld [tilespmem:s30+$0xFFFFFFB0];
	[tilespmem:s0+$0x30] =	vst v0  }
0x15c: {  	[tilespmem:s29+$0xFFFFFFD0] =	vst v3;
	v3 =	vld [tilespmem:s30+$0x40]  }
0x15d: {  	v6 =	vld [tilespmem:s30+$0xC0]  }
0x15e: {  	v48 =	vld [tilespmem:s12+$0xFFFFFF60]  }
0x15f: {  	v49 =	vld [tilespmem:s30+$0x140]  }
0x160: {  	v2 =	vadd.f32 v4, v2;
	v4 =	vld [tilespmem:s1+$0x80]  }
0x161: {  	v54 =	vld [tilespmem:s12+$0xFFFFFFE0]  }
0x162: {  	v1 =	vadd.f32 v1, v2;
	v2 =	vld [tilespmem:s1+$0x100];
	v3 =	vadd.f32 v6, v3  }
0x163: {  	v0 =	vld [tilespmem:s12+$0xFFFFFEE0]  }
0x164: {  	v6 =	vld [tilespmem:s1+$0xFFFFFE80];
	v3 =	vadd.f32 v49, v3  }
0x165: {  	[tilespmem:s0+$0xFFFFFFB0] =	vst v1;
	v1 =	vld [tilespmem:s1+$0xFFFFFF80];
	v4 =	vadd.f32 v4, v11  }
0x166: {  	v50 =	vld [tilespmem:s30+$0xFFFFFEC0];
	[tilespmem:s0+$0x40] =	vst v3  }
0x167: {  	v2 =	vadd.f32 v2, v4;
	v3 =	vld [tilespmem:s30+$0x50]  }
0x168: {  	s16 =	simm.s32 $0x11C80;
	v4 =	vld [tilespmem:s30+$0xD0]  }
0x169: {  	[tilespmem:s16+$0x0] =	vst v2;
	v6 =	vadd.f32 v12, v6;
	v2 =	vld [tilespmem:s30+$0x150]  }
0x16a: {  	v52 =	vld [tilespmem:s1+$0x10]  }
0x16b: {  	v1 =	vadd.f32 v1, v6;
	v6 =	vld [tilespmem:s1+$0x90]  }
0x16c: {  	v51 =	vld [tilespmem:s30+$0xFFFFFF40]  }
0x16d: {  	[tilespmem:s16+$0xFFFFFF80] =	vst v1;
	v1 =	vld [tilespmem:s1+$0x110];
	v3 =	vadd.f32 v4, v3  }
0x16e: {  	v4 =	vld [tilespmem:s1+$0xFFFFFE90]  }
0x16f: {  	v2 =	vadd.f32 v2, v3;
	v3 =	vld [tilespmem:s1+$0xFFFFFF10]  }
0x170: {  	v13 =	vld [tilespmem:s30+$0xFFFFFFC0];
	v6 =	vadd.f32 v6, v52  }
0x171: {  	v53 =	vld [tilespmem:s1+$0xFFFFFF90];
	[tilespmem:s0+$0x50] =	vst v2  }
0x172: {  	v0 =	vadd.f32 v48, v0;
	v1 =	vadd.f32 v1, v6;
	v2 =	vld [tilespmem:s30+$0x60]  }
0x173: {  	v6 =	vld [tilespmem:s30+$0xE0]  }
0x174: {  	v0 =	vadd.f32 v54, v0;
	[tilespmem:s16+$0x10] =	vst v1;
	v1 =	vld [tilespmem:s30+$0x160];
	v3 =	vadd.f32 v3, v4  }
0x175: {  	v4 =	vld [tilespmem:s1+$0x20]  }
0x176: {  	[tilespmem:s29+$0xFFFFFFE0] =	vst v0;
	v10 =	vadd.f32 v51, v50;
	v55 =	vld [tilespmem:s1+$0xA0];
	v3 =	vadd.f32 v53, v3  }
0x177: {  	v63 =	vld [tilespmem:s12+$0xFFFFFEF0]  }
0x178: {  	v10 =	vadd.f32 v13, v10;
	v2 =	vadd.f32 v6, v2;
	[tilespmem:s16+$0xFFFFFF90] =	vst v3;
	v3 =	vld [tilespmem:s1+$0x120]  }
0x179: {  	v6 =	vld [tilespmem:s1+$0xFFFFFEA0]  }
0x17a: {  	[tilespmem:s0+$0xFFFFFFC0] =	vst v10;
	v1 =	vadd.f32 v1, v2;
	v2 =	vld [tilespmem:s1+$0xFFFFFF20]  }
0x17b: {  	v56 =	vld [tilespmem:s30+$0xFFFFFED0];
	v4 =	vadd.f32 v55, v4  }
0x17c: {  	v57 =	vld [tilespmem:s1+$0xFFFFFFA0]  }
0x17d: {  	v58 =	vld [tilespmem:s30+$0xFFFFFF50];
	v3 =	vadd.f32 v3, v4  }
0x17e: {  	v60 =	vld [tilespmem:s30+$0xFFFFFFD0];
	[tilespmem:s0+$0x60] =	vst v1  }
0x17f: {  	v1 =	vld [tilespmem:s30+$0x70];
	v2 =	vadd.f32 v2, v6;
	[tilespmem:s16+$0x20] =	vst v3  }
0x180: {  	v6 =	vld [tilespmem:s1+$0x30]  }
0x181: {  	v2 =	vadd.f32 v57, v2;
	v59 =	vld [tilespmem:s1+$0xB0]  }
0x182: {  	v4 =	vld [tilespmem:s30+$0xF0]  }
0x183: {  	[tilespmem:s16+$0xFFFFFFA0] =	vst v2;
	v2 =	vld [tilespmem:s1+$0x130]  }
0x184: {  	v10 =	vadd.f32 v58, v56;
	v61 =	vld [tilespmem:s1+$0xFFFFFEB0]  }
0x185: {  	v62 =	vld [tilespmem:s1+$0xFFFFFF30]  }
0x186: {  	v9 =	vadd.f32 v60, v10;
	v3 =	vld [tilespmem:s30+$0x170];
	v0 =	vadd.f32 v59, v6  }
0x187: {  	v6 =	vld [tilespmem:s1+$0xFFFFFFB0]  }
0x188: {  	v5 =	vadd.f32 v5, v8;
	v8 =	vld [tilespmem:s12+$0xFFFFFF70];
	[tilespmem:s0+$0xFFFFFFD0] =	vst v9;
	v2 =	vadd.f32 v2, v0  }
0x189: {  	v4 =	vadd.f32 v4, v1;
	v1 =	vld [tilespmem:s30+$0xFFFFFEE0]  }
0x18a: {  	v5 =	vadd.f32 v7, v5;
	v0 =	vld [tilespmem:s12+$0xFFFFFFF0];
	v7 =	vadd.f32 v62, v61;
	[tilespmem:s16+$0x30] =	vst v2  }
0x18b: {  	v2 =	vadd.f32 v3, v4;
	v4 =	vld [tilespmem:s1+$0x40]  }
0x18c: {  	[tilespmem:s29+$0x70] =	vst v5;
	v6 =	vadd.f32 v6, v7;
	v5 =	vld [tilespmem:s1+$0xC0]  }
0x18d: {  	v3 =	vld [tilespmem:s30+$0xFFFFFF60];
	[tilespmem:s0+$0x70] =	vst v2;
	v2 =	vadd.f32 v8, v63  }
0x18e: {  	s8 =	simm.s32 $0x4;
	s12 =	simm.s32 $0x8480;
	[tilespmem:s16+$0xFFFFFFB0] =	vst v6;
	v6 =	vld [tilespmem:s1+$0x140]  }
.LBB2_5:
0x18f: {  	v7 =	vld [tilespmem:s12+$0x0];
	v0 =	vadd.f32 v0, v2  }
0x190: {  	v2 =	vld [tilespmem:s12+$0x80]  }
0x191: {  	v8 =	vld [tilespmem:s12+$0xFFFFFF00];
	v4 =	vadd.f32 v5, v4;
	[tilespmem:s29+$0xFFFFFFF0] =	vst v0;
	s29 =	smov.u32 s0;
	s0 =	smov.u32 s16  }
0x192: {  	v0 =	vld [tilespmem:s12+$0x100];
	v1 =	vadd.f32 v3, v1  }
0x193: {  	v3 =	vld [tilespmem:s12+$0xFFFFFE80];
	v4 =	vadd.f32 v6, v4  }
0x194: {  	v5 =	vld [tilespmem:s12+$0xFFFFFF80]  }
0x195: {  	v2 =	vadd.f32 v2, v7;
	v6 =	vld [tilespmem:s1+$0xFFFFFEC0];
	[tilespmem:s16+$0x40] =	vst v4  }
0x196: {  	v4 =	vld [tilespmem:s1+$0x50]  }
0x197: {  	s8 =	sadd.s32 $0x2, s8;
	v0 =	vadd.f32 v0, v2;
	v2 =	vld [tilespmem:s1+$0xD0]  }
0x198: {  	p0 =	slt.u32 s8, $0x4E;
	s16 =	sadd.s32 $0x100, s16;
	v3 =	vadd.f32 v8, v3;
	v7 =	vld [tilespmem:s1+$0xFFFFFF40]  }
0x199: {  	[tilespmem:s16+$0x0] =	vst v0;
	v0 =	vld [tilespmem:s1+$0x150]  }
0x19a: {  	v3 =	vadd.f32 v5, v3;
	v5 =	vld [tilespmem:s12+$0x10]  }
0x19b: {  	v8 =	vld [tilespmem:s12+$0x90]  }
0x19c: {  	[tilespmem:s16+$0xFFFFFF80] =	vst v3;
	v3 =	vld [tilespmem:s1+$0xFFFFFFC0];
	v2 =	vadd.f32 v2, v4  }
0x19d: {  	v4 =	vld [tilespmem:s12+$0x110];
	v6 =	vadd.f32 v7, v6  }
0x19e: {  	v7 =	vld [tilespmem:s12+$0xFFFFFE90];
	v0 =	vadd.f32 v0, v2  }
0x19f: {  	v2 =	vld [tilespmem:s12+$0xFFFFFF10]  }
0x1a0: {  	v9 =	vld [tilespmem:s12+$0xFFFFFF90];
	v5 =	vadd.f32 v8, v5;
	[tilespmem:s0+$0x50] =	vst v0  }
0x1a1: {  	v0 =	vadd.f32 v3, v6;
	v3 =	vld [tilespmem:s1+$0x60]  }
0x1a2: {  	v4 =	vadd.f32 v4, v5;
	v5 =	vld [tilespmem:s1+$0xE0]  }
0x1a3: {  	[tilespmem:s0+$0xFFFFFFC0] =	vst v0;
	v0 =	vld [tilespmem:s30+$0xFFFFFFE0]  }
0x1a4: {  	v2 =	vadd.f32 v2, v7;
	[tilespmem:s16+$0x10] =	vst v4;
	v4 =	vld [tilespmem:s1+$0x160]  }
0x1a5: {  	v6 =	vld [tilespmem:s12+$0x20]  }
0x1a6: {  	v2 =	vadd.f32 v9, v2;
	v7 =	vld [tilespmem:s12+$0xA0]  }
0x1a7: {  	v8 =	vld [tilespmem:s1+$0xFFFFFED0];
	v3 =	vadd.f32 v5, v3  }
0x1a8: {  	[tilespmem:s16+$0xFFFFFF90] =	vst v2;
	v2 =	vld [tilespmem:s12+$0x120];
	v0 =	vadd.f32 v0, v1  }
0x1a9: {  	v1 =	vld [tilespmem:s12+$0xFFFFFEA0];
	v3 =	vadd.f32 v4, v3  }
0x1aa: {  	v4 =	vld [tilespmem:s12+$0xFFFFFF20];
	[tilespmem:s29+$0xFFFFFFE0] =	vst v0  }
0x1ab: {  	v0 =	vld [tilespmem:s12+$0xFFFFFFA0];
	v5 =	vadd.f32 v7, v6;
	[tilespmem:s0+$0x60] =	vst v3  }
0x1ac: {  	v3 =	vld [tilespmem:s1+$0x70]  }
0x1ad: {  	v2 =	vadd.f32 v2, v5;
	v5 =	vld [tilespmem:s1+$0xF0]  }
0x1ae: {  	v6 =	vld [tilespmem:s1+$0xFFFFFF50]  }
0x1af: {  	v1 =	vadd.f32 v4, v1;
	[tilespmem:s16+$0x20] =	vst v2;
	v2 =	vld [tilespmem:s1+$0x170]  }
0x1b0: {  	v4 =	vld [tilespmem:s12+$0x30]  }
0x1b1: {  	v0 =	vadd.f32 v0, v1;
	v1 =	vld [tilespmem:s12+$0xB0]  }
0x1b2: {  	v7 =	vld [tilespmem:s1+$0xFFFFFFD0];
	v3 =	vadd.f32 v5, v3  }
0x1b3: {  	[tilespmem:s16+$0xFFFFFFA0] =	vst v0;
	v0 =	vld [tilespmem:s12+$0x130];
	v5 =	vadd.f32 v6, v8  }
0x1b4: {  	v6 =	vld [tilespmem:s12+$0xFFFFFEB0];
	v2 =	vadd.f32 v2, v3  }
0x1b5: {  	v3 =	vld [tilespmem:s12+$0xFFFFFF30]  }
0x1b6: {  	v8 =	vld [tilespmem:s12+$0xFFFFFFB0];
	v1 =	vadd.f32 v1, v4;
	[tilespmem:s0+$0x70] =	vst v2  }
0x1b7: {  	v2 =	vadd.f32 v7, v5;
	v7 =	vld [tilespmem:s30+$0xFFFFFEF0]  }
0x1b8: {  	v1 =	vadd.f32 v0, v1;
	v9 =	vld [tilespmem:s30+$0xFFFFFF70]  }
0x1b9: {  	[tilespmem:s0+$0xFFFFFFD0] =	vst v2;
	v0 =	vld [tilespmem:s30+$0xFFFFFFF0];
	s30 =	smov.u32 s1;
	s1 =	smov.u32 s12  }
.Ltmp1:
0x1ba: {  	v2 =	vadd.f32 v3, v6;
	[tilespmem:s16+$0x30] =	vst v1;
	v1 =	vld [tilespmem:s30+$0xFFFFFEE0];
	(pc) =	sbr.rel @p0 .LBB2_5-.Ltmp1, $4  }
0x1bb: {  	v4 =	vld [tilespmem:s12+$0x40]  }
0x1bc: {  	v6 =	vadd.f32 v8, v2;
	v5 =	vld [tilespmem:s12+$0xC0]  }
0x1bd: {  	v3 =	vld [tilespmem:s30+$0xFFFFFF60];
	v2 =	vadd.f32 v9, v7  }
0x1be: {  	s12 =	sadd.s32 $0x300, s12;
	[tilespmem:s16+$0xFFFFFFB0] =	vst v6;
	v6 =	vld [tilespmem:s1+$0x140]  }
0x1bf: {  	v7 =	vld [tilespmem:s1+$0xFFFFFEC0]  }
0x1c0: {  	v43 =	vld [tilespmem:s1+$0xFFFFFF40];
	_ =	sdelay $0x1  }
0x1c1: {  	v44 =	vld [tilespmem:s1+$0xFFFFFFC0];
	v4 =	vadd.f32 v5, v4;
	_ =	sdelay $0x1  }
0x1c2: {  	v4 =	vadd.f32 v6, v4  }
0x1c3: {  	v5 =	vadd.f32 v43, v7  }
0x1c4: {  	[tilespmem:s16+$0x40] =	vst v4  }
0x1c5: {  	v4 =	vld [tilespmem:s1+$0x50];
	v5 =	vadd.f32 v44, v5  }
0x1c6: {  	v45 =	vld [tilespmem:s1+$0xD0]  }
0x1c7: {  	v46 =	vld [tilespmem:s1+$0x150];
	[tilespmem:s16+$0xFFFFFFC0] =	vst v5  }
0x1c8: {  	v5 =	vld [tilespmem:s1+$0xFFFFFED0]  }
0x1c9: {  	v47 =	vld [tilespmem:s1+$0xFFFFFF50];
	_ =	sdelay $0x1  }
0x1ca: {  	v48 =	vld [tilespmem:s1+$0xFFFFFFD0];
	v4 =	vadd.f32 v45, v4;
	_ =	sdelay $0x1  }
0x1cb: {  	v4 =	vadd.f32 v46, v4  }
0x1cc: {  	v5 =	vadd.f32 v47, v5  }
0x1cd: {  	v8 =	vld [tilespmem:s30+$0xFFFFFFE0];
	[tilespmem:s16+$0x50] =	vst v4  }
0x1ce: {  	v4 =	vld [tilespmem:s1+$0x60];
	v5 =	vadd.f32 v48, v5  }
0x1cf: {  	v49 =	vld [tilespmem:s1+$0xE0]  }
0x1d0: {  	v50 =	vld [tilespmem:s1+$0x160];
	[tilespmem:s16+$0xFFFFFFD0] =	vst v5  }
0x1d1: {  	v5 =	vld [tilespmem:s1+$0xFFFFFEE0]  }
0x1d2: {  	v1 =	vadd.f32 v3, v1;
	v51 =	vld [tilespmem:s1+$0xFFFFFF60];
	_ =	sdelay $0x1  }
0x1d3: {  	v1 =	vadd.f32 v8, v1;
	v52 =	vld [tilespmem:s1+$0xFFFFFFE0]  }
0x1d4: {  	v4 =	vadd.f32 v49, v4  }
0x1d5: {  	[tilespmem:s0+$0xFFFFFFE0] =	vst v1  }
0x1d6: {  	v57 =	vld [tilespmem:s30+$0xFFFFFEF0];
	v4 =	vadd.f32 v50, v4;
	v54 =	vadd.f32 v51, v5  }
0x1d7: {  	v58 =	vld [tilespmem:s30+$0xFFFFFF70]  }
0x1d8: {  	v9 =	vld [tilespmem:s30+$0xFFFFFFF0];
	[tilespmem:s16+$0x60] =	vst v4;
	v4 =	vadd.f32 v52, v54  }
0x1d9: {  	v53 =	vld [tilespmem:s1+$0x70]  }
0x1da: {  	v55 =	vld [tilespmem:s1+$0xF0];
	[tilespmem:s16+$0xFFFFFFE0] =	vst v4  }
0x1db: {  	v4 =	vld [tilespmem:s1+$0xFFFFFEF0]  }
0x1dc: {  	v59 =	vld [tilespmem:s1+$0xFFFFFF70]  }
0x1dd: {  	v56 =	vld [tilespmem:s1+$0x170]  }
0x1de: {  	v10 =	vld [tilespmem:s1+$0xFFFFFFF0]  }
0x1df: {  	v60 =	vadd.f32 v58, v57  }
0x1e0: {  	v0 =	vadd.f32 v0, v2;
	s26 =	sadd.s32 $0x1, s26;
	v3 =	vadd.f32 v55, v53  }
0x1e1: {  	p0 =	sne.s32 s26, $0x28;
	v62 =	vadd.f32 v9, v60;
	v61 =	vadd.f32 v59, v4  }
.Ltmp2:
0x1e2: {  	[tilespmem:s29+$0xFFFFFFF0] =	vst v0;
	v1 =	vadd.f32 v56, v3;
	(pc) =	sbr.rel @p0 .LBB2_2-.Ltmp2, $4  }
0x1e3: {  	[tilespmem:s0+$0xFFFFFFF0] =	vst v62;
	v63 =	vadd.f32 v10, v61  }
0x1e4: {  	s31 =	sshll.u32 s28, $0x4;
	[tilespmem:s16+$0x70] =	vst v1  }
0x1e5: {  	s0 =	sadd.s32 s2, s31;
	[tilespmem:s16+$0xFFFFFFF0] =	vst v63  }
0x1e6: {  	[hbm4b:s0+s3] =	stream.linear.scatter [tilespmem:s22], [sflag:$0x6], $0x2800, $0x38;
	[tilespmem:$0x14200] =	vst v63  }
0x1e7: {  	_ =	swait.ge [sflag:s23], $0x2800  }
0x1e8: {  	[sflag:s23] =	ssyncset.done $0x0  }
0x1e9: {  	[sflag:s23] =	ssyncadd.s32 $0xFFFFD800  }
0x1ea: {  	_ =	swait.ge [sflag:s24], $0x2800  }
0x1eb: {  	s25 =	sadd.s32 $0x1, s25;
	s0 =	rddreg [dreg:$0x4]  }
0x1ec: {  	p0 =	sne.s32 s25, s0  }
.Ltmp3:
0x1ed: {  	_ = 	snop;
	(pc) =	sbr.rel @p0 .LBB2_1-.Ltmp3, $3  }
0x1ee: {  	_ =	sdelay $0x1  }
0x1ef: {  	[sflag:s24] =	ssyncset.done $0x0  }
0x1f0: {  	[sflag:s24] =	ssyncadd.s32 $0xFFFFD800  }
0x1f1: {  	_ =	sfence.sel $0x180000  }
0x1f2: {  	[bflag:$0x0] =	sbarrier.arrive $0xFFFF  }
0x1f3: {  	_ =	strace $0x90000047  }
0x1f4: {  	s0 =	stileid.u32;
	[bflag:$0x2] =	sbarrier.arrive $0xFFFF  }
0x1f5: {  	p0 =	sne.s32 s0, $0x0;
	s0 =	rddreg [dreg:$0x2]  }
0x1f6: {  	s0 =	sadd.s32 @!p0 $0x100000, s0  }
0x1f7: {  	[sflag:s0] =	ssyncadd.tile.s32 @!p0 $0x1;
	_ =	shalt  }
.Lfunc_end2:
_tile_overlayer_lowered:
.L_overlay_start_2:
0x1f8: {  	(tag) =	ssettag $0x2  }
0x1f9: {  	s0 =	rddreg [dreg:$0x0];
	s2 =	stileid.u32  }
0x1fa: {  	s1 =	rddreg [dreg:$0x1];
	p0 =	sne.s32 s2, $0x0  }
0x1fb: {  	s3 =	rddreg [dreg:$0x2];
	[bflag:$0x3] =	sbarrier.arrive $0xFFFF;
	s2 =	simm.s32 @!p0 $0x1C07  }
0x1fc: {  	[timem:s3], [sflag:s2] =	dma.local @!p0 [hbm:s0], s1  }
0x1fd: {  	s0 =	simm.s32 @!p0 $0x7  }
0x1fe: {  	_ =	swait.ge @!p0 [sflag:s0], s1  }
0x1ff: {  	s1 =	ssub.s32 @!p0 $0x0, s1;
	[sflag:s0] =	ssyncset.done @!p0 $0x0  }
0x200: {  	[sflag:s0] =	ssyncadd.s32 @!p0 s1  }
0x201: {  	[bflag:$0x3] =	sbarrier.arrive $0xFFFF  }
0x202: {  	_ =	shalt  }

</sc_bundles>
